<compile_context>
chip_gen: v7x
topology: tpu7x:2x2x1
jax: 0.10.2.dev20260603
libtpu: 0.0.44.dev20260713+nightly
codegen_flags: <defaults>
</compile_context>

<pallas_src>
import functools

import jax
import jax.numpy as jnp
from jax import lax
from jax.experimental import pallas as pl
from jax.experimental.pallas import tpu as pltpu
from jax.experimental.pallas import tpu_sc as plsc

N = 100000
D = 128
NW = 32
CHUNK = 256
NCH = N // CHUNK
FULL_T = NCH // NW
REM = NCH - FULL_T * NW
TAIL = N - NCH * CHUNK
TAIL_BASE = NCH * CHUNK
TAIL_WID = NW - 1
NBUF = 3

_mesh = plsc.VectorSubcoreMesh(core_axis_name="c", subcore_axis_name="s")


@functools.partial(
    pl.kernel,
    mesh=_mesh,
    out_type=jax.ShapeDtypeStruct((N, D), jnp.float32),
    scratch_types=[
        pltpu.VMEM((CHUNK,), jnp.int32),
        pltpu.VMEM((CHUNK,), jnp.int32),
        pltpu.VMEM((CHUNK,), jnp.int32),
        pltpu.VMEM((CHUNK, D), jnp.float32),
        pltpu.VMEM((CHUNK, D), jnp.float32),
        pltpu.VMEM((CHUNK, D), jnp.float32),
        pltpu.VMEM((TAIL,), jnp.int32),
        pltpu.VMEM((TAIL, D), jnp.float32),
        pltpu.VMEM_SHARED((10, D), jnp.float32),
        pltpu.SemaphoreType.DMA,
        pltpu.SemaphoreType.DMA,
    ],
)
def _embed_gather(idx_hbm, table_hbm, out_hbm, idx0, idx1, idx2,
                  rows0, rows1, rows2, idx_t, rows_t, table_sh,
                  sem_g, sem_s):
    wid = lax.axis_index("s") * 2 + lax.axis_index("c")
    idx_bufs = (idx0, idx1, idx2)
    rows_bufs = (rows0, rows1, rows2)

    @pl.when(lax.axis_index("s") == 0)
    def _():
        pltpu.sync_copy(table_hbm, table_sh)

    def base(t):
        return (wid + t * NW) * CHUNK

    def load_idx(t):
        pltpu.sync_copy(idx_hbm.at[pl.ds(base(t), CHUNK)], idx_bufs[t % NBUF])

    def start_gather(t):
        return pltpu.async_copy(table_sh.at[idx_bufs[t % NBUF]],
                                rows_bufs[t % NBUF], sem_g)

    g_h = [None] * (FULL_T + 1)
    scat_h = [None] * (FULL_T + 1)

    load_idx(0)
    load_idx(1)
    plsc.subcore_barrier()
    g_h[0] = start_gather(0)

    for t in range(FULL_T):
        if t >= 2:
            scat_h[t - 2].wait()
        if t + 1 < FULL_T:
            g_h[t + 1] = start_gather(t + 1)
        elif t + 1 == FULL_T:
            @pl.when(wid < REM)
            def _():
                g_h[FULL_T] = start_gather(FULL_T)
        g_h[t].wait()
        scat_h[t] = pltpu.async_copy(
            rows_bufs[t % NBUF], out_hbm.at[pl.ds(base(t), CHUNK)], sem_s)
        if t + 2 < FULL_T:
            load_idx(t + 2)
        elif t + 2 == FULL_T:
            @pl.when(wid < REM)
            def _():
                load_idx(FULL_T)

    @pl.when(wid < REM)
    def _():
        g_h[FULL_T].wait()
        pltpu.async_copy(rows_bufs[FULL_T % NBUF],
                         out_hbm.at[pl.ds(base(FULL_T), CHUNK)], sem_s)
        scat_h[FULL_T - 2].wait()

    @pl.when(wid == TAIL_WID)
    def _():
        pltpu.sync_copy(idx_hbm.at[pl.ds(TAIL_BASE, TAIL)], idx_t)
        pltpu.async_copy(table_sh.at[idx_t], rows_t, sem_g).wait()
        pltpu.async_copy(rows_t, out_hbm.at[pl.ds(TAIL_BASE, TAIL)],
                         sem_s).wait()

    scat_h[FULL_T - 2].wait()
    scat_h[FULL_T - 1].wait()


def kernel(centrality, embedding):
    idx = centrality.astype(jnp.int32)
    return _embed_gather(idx, embedding)

# --- scband reference (transcript-rebuilt; emitter-appended) ---
"""Pipeline reference for scband-centrality-encoding-63522566308126 (READ-ONLY COPY).

The authoritative reference and input builder live on the scoring server;
editing this copy changes nothing except your own understanding.
"""

import jax, jax.numpy as jnp
import numpy as np

NUM_BINS = 10
D_MODEL = 128
N = 100000

def setup_inputs(seed: int = 0) -> dict:
    key = jax.random.key(seed)
    k_idx, k_emb = jax.random.split(key)
    centrality = jax.random.randint(k_idx, (N,), 0, NUM_BINS, dtype=jnp.int64 if jax.config.jax_enable_x64 else jnp.int32)
    # nn.Embedding default init: N(0, 1)
    embedding = jax.random.normal(k_emb, (NUM_BINS, D_MODEL), dtype=jnp.float32)
    return {"centrality": centrality, "embedding": embedding}

def reference(centrality, embedding):
    # Faithful translation of nn.Embedding forward: row gather
    return jnp.take(embedding, centrality, axis=0)

if __name__ == "__main__":
    import jax
    _d = setup_inputs()
    print(jax.jit(kernel)(*tuple(_d.values())))

</pallas_src>

<mosaic_0001>
#map = affine_map<(d0, d1) -> (0)>
#map1 = affine_map<(d0, d1) -> (0, 0)>
module attributes {stable_mosaic.version = 14 : i64} {
  func.func @_embed_gather(%arg0: i32, %arg1: i32, %arg2: memref<100000xi32, #tpu.memory_space<hbm>>, %arg3: memref<10x128xf32, #tpu.memory_space<hbm>>, %arg4: memref<100000x128xf32, #tpu.memory_space<hbm>>, %arg5: memref<256xi32, #tpu.memory_space<vmem>>, %arg6: memref<256xi32, #tpu.memory_space<vmem>>, %arg7: memref<256xi32, #tpu.memory_space<vmem>>, %arg8: memref<256x128xf32, #tpu.memory_space<vmem>>, %arg9: memref<256x128xf32, #tpu.memory_space<vmem>>, %arg10: memref<256x128xf32, #tpu.memory_space<vmem>>, %arg11: memref<160xi32, #tpu.memory_space<vmem>>, %arg12: memref<160x128xf32, #tpu.memory_space<vmem>>, %arg13: memref<10x128xf32, #tpu.memory_space<vmem_shared>>, %arg14: memref<!tpu.dma_semaphore, #tpu.memory_space<semaphore_mem>>, %arg15: memref<!tpu.dma_semaphore, #tpu.memory_space<semaphore_mem>>) attributes {dimension_semantics = [#tpu.dimension_semantics<core_parallel>, #tpu.dimension_semantics<subcore_parallel>], iteration_bounds = array<i64: 2, 16>, scalar_prefetch = 0 : i64, scratch_operands = 11 : i64, tpu.core_type = #tpu.core_type<sc_vector_subcore>, window_params = [{transform_indices = #map}, {transform_indices = #map1}, {transform_indices = #map1}]} {
    %mul3A = arith.constant 2 : i32
    %mul3A_0 = arith.muli %arg1, %mul3A : i32
    %add3A = arith.addi %mul3A_0, %arg0 : i32
    %eq3A = arith.constant 0 : i32
    %eq3A_1 = arith.cmpi eq, %arg1, %eq3A : i32
    %convert_element_type3A = arith.extui %eq3A_1 : i1 to i32
    %cond3A = arith.constant 0 : i32
    %cond3A_2 = arith.cmpi ne, %convert_element_type3A, %cond3A : i32
    scf.if %cond3A_2 {
      "tpu.region"() ({
        %run_scoped3A = tpu.sem_alloc : memref<!tpu.dma_semaphore, #tpu.memory_space<semaphore_mem>>
        tpu.enqueue_dma source(%arg3 : memref<10x128xf32, #tpu.memory_space<hbm>>) target(%arg13 : memref<10x128xf32, #tpu.memory_space<vmem_shared>>) target_semaphore(%run_scoped3A : memref<!tpu.dma_semaphore, #tpu.memory_space<semaphore_mem>>)
        tpu.wait_dma2 semaphore(%run_scoped3A : memref<!tpu.dma_semaphore, #tpu.memory_space<semaphore_mem>>) src(%arg3 : memref<10x128xf32, #tpu.memory_space<hbm>>) dst(%arg13 : memref<10x128xf32, #tpu.memory_space<vmem_shared>>)
        tpu.yield
      }) : () -> ()
    } else {
    }
    %add3A_3 = arith.constant 0 : i32
    %add3A_4 = arith.addi %add3A, %add3A_3 : i32
    %mul3A_5 = arith.constant 256 : i32
    %mul3A_6 = arith.muli %add3A_4, %mul3A_5 : i32
    "tpu.region"() ({
      %run_scoped3A = tpu.sem_alloc : memref<!tpu.dma_semaphore, #tpu.memory_space<semaphore_mem>>
      %dma_start3A_284 = tpu.memref_slice %arg2[%mul3A_6] : memref<100000xi32, #tpu.memory_space<hbm>> -> memref<256xi32, #tpu.memory_space<hbm>>
      %dma_start3A_285 = tpu.memref_slice %arg2[%mul3A_6] : memref<100000xi32, #tpu.memory_space<hbm>> -> memref<256xi32, #tpu.memory_space<hbm>>
      tpu.enqueue_dma source(%dma_start3A_285 : memref<256xi32, #tpu.memory_space<hbm>>) target(%arg5 : memref<256xi32, #tpu.memory_space<vmem>>) target_semaphore(%run_scoped3A : memref<!tpu.dma_semaphore, #tpu.memory_space<semaphore_mem>>)
      %dma_wait3A_286 = tpu.memref_slice %arg2[%mul3A_6] : memref<100000xi32, #tpu.memory_space<hbm>> -> memref<256xi32, #tpu.memory_space<hbm>>
      %dma_wait3A_287 = tpu.memref_slice %arg2[%mul3A_6] : memref<100000xi32, #tpu.memory_space<hbm>> -> memref<256xi32, #tpu.memory_space<hbm>>
      tpu.wait_dma2 semaphore(%run_scoped3A : memref<!tpu.dma_semaphore, #tpu.memory_space<semaphore_mem>>) src(%dma_wait3A_287 : memref<256xi32, #tpu.memory_space<hbm>>) dst(%arg5 : memref<256xi32, #tpu.memory_space<vmem>>)
      tpu.yield
    }) : () -> ()
    %add3A_7 = arith.constant 32 : i32
    %add3A_8 = arith.addi %add3A, %add3A_7 : i32
    %mul3A_9 = arith.constant 256 : i32
    %mul3A_10 = arith.muli %add3A_8, %mul3A_9 : i32
    "tpu.region"() ({
      %run_scoped3A = tpu.sem_alloc : memref<!tpu.dma_semaphore, #tpu.memory_space<semaphore_mem>>
      %dma_start3A_284 = tpu.memref_slice %arg2[%mul3A_10] : memref<100000xi32, #tpu.memory_space<hbm>> -> memref<256xi32, #tpu.memory_space<hbm>>
      %dma_start3A_285 = tpu.memref_slice %arg2[%mul3A_10] : memref<100000xi32, #tpu.memory_space<hbm>> -> memref<256xi32, #tpu.memory_space<hbm>>
      tpu.enqueue_dma source(%dma_start3A_285 : memref<256xi32, #tpu.memory_space<hbm>>) target(%arg6 : memref<256xi32, #tpu.memory_space<vmem>>) target_semaphore(%run_scoped3A : memref<!tpu.dma_semaphore, #tpu.memory_space<semaphore_mem>>)
      %dma_wait3A_286 = tpu.memref_slice %arg2[%mul3A_10] : memref<100000xi32, #tpu.memory_space<hbm>> -> memref<256xi32, #tpu.memory_space<hbm>>
      %dma_wait3A_287 = tpu.memref_slice %arg2[%mul3A_10] : memref<100000xi32, #tpu.memory_space<hbm>> -> memref<256xi32, #tpu.memory_space<hbm>>
      tpu.wait_dma2 semaphore(%run_scoped3A : memref<!tpu.dma_semaphore, #tpu.memory_space<semaphore_mem>>) src(%dma_wait3A_287 : memref<256xi32, #tpu.memory_space<hbm>>) dst(%arg6 : memref<256xi32, #tpu.memory_space<vmem>>)
      tpu.yield
    }) : () -> ()
    %barrier3A = arith.constant 0 : index
    tpu.barrier barrier_id(%barrier3A)
    %dma_start3A = arith.constant 0 : i32
    %dma_start3A_11 = arith.constant 0 : i32
    %dma_start3A_12 = tpu.memref_slice %arg13[%dma_start3A, %dma_start3A_11] : memref<10x128xf32, #tpu.memory_space<vmem_shared>> -> memref<10x128xf32, #tpu.memory_space<vmem_shared>>
    tpu.enqueue_indirect_dma source(%dma_start3A_12 : memref<10x128xf32, #tpu.memory_space<vmem_shared>>) target(%arg8 : memref<256x128xf32, #tpu.memory_space<vmem>>) offsets(%arg5 : memref<256xi32, #tpu.memory_space<vmem>>) semaphore(%arg14 : memref<!tpu.dma_semaphore, #tpu.memory_space<semaphore_mem>>)
    %dma_start3A_13 = arith.constant 0 : i32
    %dma_start3A_14 = arith.constant 0 : i32
    %dma_start3A_15 = tpu.memref_slice %arg13[%dma_start3A_13, %dma_start3A_14] : memref<10x128xf32, #tpu.memory_space<vmem_shared>> -> memref<10x128xf32, #tpu.memory_space<vmem_shared>>
    tpu.enqueue_indirect_dma source(%dma_start3A_15 : memref<10x128xf32, #tpu.memory_space<vmem_shared>>) target(%arg9 : memref<256x128xf32, #tpu.memory_space<vmem>>) offsets(%arg6 : memref<256xi32, #tpu.memory_space<vmem>>) semaphore(%arg14 : memref<!tpu.dma_semaphore, #tpu.memory_space<semaphore_mem>>)
    %dma_wait3A = arith.constant 0 : i32
    %dma_wait3A_16 = arith.constant 0 : i32
    %dma_wait3A_17 = tpu.memref_slice %arg13[%dma_wait3A, %dma_wait3A_16] : memref<10x128xf32, #tpu.memory_space<vmem_shared>> -> memref<10x128xf32, #tpu.memory_space<vmem_shared>>
    tpu.wait_indirect_dma semaphore(%arg14 : memref<!tpu.dma_semaphore, #tpu.memory_space<semaphore_mem>>) src(%dma_wait3A_17 : memref<10x128xf32, #tpu.memory_space<vmem_shared>>) dst(%arg8 : memref<256x128xf32, #tpu.memory_space<vmem>>)
    %add3A_18 = arith.constant 0 : i32
    %add3A_19 = arith.addi %add3A, %add3A_18 : i32
    %mul3A_20 = arith.constant 256 : i32
    %mul3A_21 = arith.muli %add3A_19, %mul3A_20 : i32
    %dma_start3A_22 = arith.constant 0 : i32
    %dma_start3A_23 = tpu.memref_slice %arg4[%mul3A_21, %dma_start3A_22] : memref<100000x128xf32, #tpu.memory_space<hbm>> -> memref<256x128xf32, #tpu.memory_space<hbm>>
    %dma_start3A_24 = arith.constant 0 : i32
    %dma_start3A_25 = tpu.memref_slice %arg4[%mul3A_21, %dma_start3A_24] : memref<100000x128xf32, #tpu.memory_space<hbm>> -> memref<256x128xf32, #tpu.memory_space<hbm>>
    tpu.enqueue_dma source(%arg8 : memref<256x128xf32, #tpu.memory_space<vmem>>) target(%dma_start3A_25 : memref<256x128xf32, #tpu.memory_space<hbm>>) target_semaphore(%arg15 : memref<!tpu.dma_semaphore, #tpu.memory_space<semaphore_mem>>)
    %add3A_26 = arith.constant 64 : i32
    %add3A_27 = arith.addi %add3A, %add3A_26 : i32
    %mul3A_28 = arith.constant 256 : i32
    %mul3A_29 = arith.muli %add3A_27, %mul3A_28 : i32
    "tpu.region"() ({
      %run_scoped3A = tpu.sem_alloc : memref<!tpu.dma_semaphore, #tpu.memory_space<semaphore_mem>>
      %dma_start3A_284 = tpu.memref_slice %arg2[%mul3A_29] : memref<100000xi32, #tpu.memory_space<hbm>> -> memref<256xi32, #tpu.memory_space<hbm>>
      %dma_start3A_285 = tpu.memref_slice %arg2[%mul3A_29] : memref<100000xi32, #tpu.memory_space<hbm>> -> memref<256xi32, #tpu.memory_space<hbm>>
      tpu.enqueue_dma source(%dma_start3A_285 : memref<256xi32, #tpu.memory_space<hbm>>) target(%arg7 : memref<256xi32, #tpu.memory_space<vmem>>) target_semaphore(%run_scoped3A : memref<!tpu.dma_semaphore, #tpu.memory_space<semaphore_mem>>)
      %dma_wait3A_286 = tpu.memref_slice %arg2[%mul3A_29] : memref<100000xi32, #tpu.memory_space<hbm>> -> memref<256xi32, #tpu.memory_space<hbm>>
      %dma_wait3A_287 = tpu.memref_slice %arg2[%mul3A_29] : memref<100000xi32, #tpu.memory_space<hbm>> -> memref<256xi32, #tpu.memory_space<hbm>>
      tpu.wait_dma2 semaphore(%run_scoped3A : memref<!tpu.dma_semaphore, #tpu.memory_space<semaphore_mem>>) src(%dma_wait3A_287 : memref<256xi32, #tpu.memory_space<hbm>>) dst(%arg7 : memref<256xi32, #tpu.memory_space<vmem>>)
      tpu.yield
    }) : () -> ()
    %dma_start3A_30 = arith.constant 0 : i32
    %dma_start3A_31 = arith.constant 0 : i32
    %dma_start3A_32 = tpu.memref_slice %arg13[%dma_start3A_30, %dma_start3A_31] : memref<10x128xf32, #tpu.memory_space<vmem_shared>> -> memref<10x128xf32, #tpu.memory_space<vmem_shared>>
    tpu.enqueue_indirect_dma source(%dma_start3A_32 : memref<10x128xf32, #tpu.memory_space<vmem_shared>>) target(%arg10 : memref<256x128xf32, #tpu.memory_space<vmem>>) offsets(%arg7 : memref<256xi32, #tpu.memory_space<vmem>>) semaphore(%arg14 : memref<!tpu.dma_semaphore, #tpu.memory_space<semaphore_mem>>)
    %dma_wait3A_33 = arith.constant 0 : i32
    %dma_wait3A_34 = arith.constant 0 : i32
    %dma_wait3A_35 = tpu.memref_slice %arg13[%dma_wait3A_33, %dma_wait3A_34] : memref<10x128xf32, #tpu.memory_space<vmem_shared>> -> memref<10x128xf32, #tpu.memory_space<vmem_shared>>
    tpu.wait_indirect_dma semaphore(%arg14 : memref<!tpu.dma_semaphore, #tpu.memory_space<semaphore_mem>>) src(%dma_wait3A_35 : memref<10x128xf32, #tpu.memory_space<vmem_shared>>) dst(%arg9 : memref<256x128xf32, #tpu.memory_space<vmem>>)
    %add3A_36 = arith.constant 32 : i32
    %add3A_37 = arith.addi %add3A, %add3A_36 : i32
    %mul3A_38 = arith.constant 256 : i32
    %mul3A_39 = arith.muli %add3A_37, %mul3A_38 : i32
    %dma_start3A_40 = arith.constant 0 : i32
    %dma_start3A_41 = tpu.memref_slice %arg4[%mul3A_39, %dma_start3A_40] : memref<100000x128xf32, #tpu.memory_space<hbm>> -> memref<256x128xf32, #tpu.memory_space<hbm>>
    %dma_start3A_42 = arith.constant 0 : i32
    %dma_start3A_43 = tpu.memref_slice %arg4[%mul3A_39, %dma_start3A_42] : memref<100000x128xf32, #tpu.memory_space<hbm>> -> memref<256x128xf32, #tpu.memory_space<hbm>>
    tpu.enqueue_dma source(%arg9 : memref<256x128xf32, #tpu.memory_space<vmem>>) target(%dma_start3A_43 : memref<256x128xf32, #tpu.memory_space<hbm>>) target_semaphore(%arg15 : memref<!tpu.dma_semaphore, #tpu.memory_space<semaphore_mem>>)
    %add3A_44 = arith.constant 96 : i32
    %add3A_45 = arith.addi %add3A, %add3A_44 : i32
    %mul3A_46 = arith.constant 256 : i32
    %mul3A_47 = arith.muli %add3A_45, %mul3A_46 : i32
    "tpu.region"() ({
      %run_scoped3A = tpu.sem_alloc : memref<!tpu.dma_semaphore, #tpu.memory_space<semaphore_mem>>
      %dma_start3A_284 = tpu.memref_slice %arg2[%mul3A_47] : memref<100000xi32, #tpu.memory_space<hbm>> -> memref<256xi32, #tpu.memory_space<hbm>>
      %dma_start3A_285 = tpu.memref_slice %arg2[%mul3A_47] : memref<100000xi32, #tpu.memory_space<hbm>> -> memref<256xi32, #tpu.memory_space<hbm>>
      tpu.enqueue_dma source(%dma_start3A_285 : memref<256xi32, #tpu.memory_space<hbm>>) target(%arg5 : memref<256xi32, #tpu.memory_space<vmem>>) target_semaphore(%run_scoped3A : memref<!tpu.dma_semaphore, #tpu.memory_space<semaphore_mem>>)
      %dma_wait3A_286 = tpu.memref_slice %arg2[%mul3A_47] : memref<100000xi32, #tpu.memory_space<hbm>> -> memref<256xi32, #tpu.memory_space<hbm>>
      %dma_wait3A_287 = tpu.memref_slice %arg2[%mul3A_47] : memref<100000xi32, #tpu.memory_space<hbm>> -> memref<256xi32, #tpu.memory_space<hbm>>
      tpu.wait_dma2 semaphore(%run_scoped3A : memref<!tpu.dma_semaphore, #tpu.memory_space<semaphore_mem>>) src(%dma_wait3A_287 : memref<256xi32, #tpu.memory_space<hbm>>) dst(%arg5 : memref<256xi32, #tpu.memory_space<vmem>>)
      tpu.yield
    }) : () -> ()
    %dma_wait3A_48 = arith.constant 0 : i32
    %dma_wait3A_49 = tpu.memref_slice %arg4[%mul3A_21, %dma_wait3A_48] : memref<100000x128xf32, #tpu.memory_space<hbm>> -> memref<256x128xf32, #tpu.memory_space<hbm>>
    %dma_wait3A_50 = arith.constant 0 : i32
    %dma_wait3A_51 = tpu.memref_slice %arg4[%mul3A_21, %dma_wait3A_50] : memref<100000x128xf32, #tpu.memory_space<hbm>> -> memref<256x128xf32, #tpu.memory_space<hbm>>
    tpu.wait_dma2 semaphore(%arg15 : memref<!tpu.dma_semaphore, #tpu.memory_space<semaphore_mem>>) src(%arg8 : memref<256x128xf32, #tpu.memory_space<vmem>>) dst(%dma_wait3A_51 : memref<256x128xf32, #tpu.memory_space<hbm>>)
    %dma_start3A_52 = arith.constant 0 : i32
    %dma_start3A_53 = arith.constant 0 : i32
    %dma_start3A_54 = tpu.memref_slice %arg13[%dma_start3A_52, %dma_start3A_53] : memref<10x128xf32, #tpu.memory_space<vmem_shared>> -> memref<10x128xf32, #tpu.memory_space<vmem_shared>>
    tpu.enqueue_indirect_dma source(%dma_start3A_54 : memref<10x128xf32, #tpu.memory_space<vmem_shared>>) target(%arg8 : memref<256x128xf32, #tpu.memory_space<vmem>>) offsets(%arg5 : memref<256xi32, #tpu.memory_space<vmem>>) semaphore(%arg14 : memref<!tpu.dma_semaphore, #tpu.memory_space<semaphore_mem>>)
    %dma_wait3A_55 = arith.constant 0 : i32
    %dma_wait3A_56 = arith.constant 0 : i32
    %dma_wait3A_57 = tpu.memref_slice %arg13[%dma_wait3A_55, %dma_wait3A_56] : memref<10x128xf32, #tpu.memory_space<vmem_shared>> -> memref<10x128xf32, #tpu.memory_space<vmem_shared>>
    tpu.wait_indirect_dma semaphore(%arg14 : memref<!tpu.dma_semaphore, #tpu.memory_space<semaphore_mem>>) src(%dma_wait3A_57 : memref<10x128xf32, #tpu.memory_space<vmem_shared>>) dst(%arg10 : memref<256x128xf32, #tpu.memory_space<vmem>>)
    %add3A_58 = arith.constant 64 : i32
    %add3A_59 = arith.addi %add3A, %add3A_58 : i32
    %mul3A_60 = arith.constant 256 : i32
    %mul3A_61 = arith.muli %add3A_59, %mul3A_60 : i32
    %dma_start3A_62 = arith.constant 0 : i32
    %dma_start3A_63 = tpu.memref_slice %arg4[%mul3A_61, %dma_start3A_62] : memref<100000x128xf32, #tpu.memory_space<hbm>> -> memref<256x128xf32, #tpu.memory_space<hbm>>
    %dma_start3A_64 = arith.constant 0 : i32
    %dma_start3A_65 = tpu.memref_slice %arg4[%mul3A_61, %dma_start3A_64] : memref<100000x128xf32, #tpu.memory_space<hbm>> -> memref<256x128xf32, #tpu.memory_space<hbm>>
    tpu.enqueue_dma source(%arg10 : memref<256x128xf32, #tpu.memory_space<vmem>>) target(%dma_start3A_65 : memref<256x128xf32, #tpu.memory_space<hbm>>) target_semaphore(%arg15 : memref<!tpu.dma_semaphore, #tpu.memory_space<semaphore_mem>>)
    %add3A_66 = arith.constant 128 : i32
    %add3A_67 = arith.addi %add3A, %add3A_66 : i32
    %mul3A_68 = arith.constant 256 : i32
    %mul3A_69 = arith.muli %add3A_67, %mul3A_68 : i32
    "tpu.region"() ({
      %run_scoped3A = tpu.sem_alloc : memref<!tpu.dma_semaphore, #tpu.memory_space<semaphore_mem>>
      %dma_start3A_284 = tpu.memref_slice %arg2[%mul3A_69] : memref<100000xi32, #tpu.memory_space<hbm>> -> memref<256xi32, #tpu.memory_space<hbm>>
      %dma_start3A_285 = tpu.memref_slice %arg2[%mul3A_69] : memref<100000xi32, #tpu.memory_space<hbm>> -> memref<256xi32, #tpu.memory_space<hbm>>
      tpu.enqueue_dma source(%dma_start3A_285 : memref<256xi32, #tpu.memory_space<hbm>>) target(%arg6 : memref<256xi32, #tpu.memory_space<vmem>>) target_semaphore(%run_scoped3A : memref<!tpu.dma_semaphore, #tpu.memory_space<semaphore_mem>>)
      %dma_wait3A_286 = tpu.memref_slice %arg2[%mul3A_69] : memref<100000xi32, #tpu.memory_space<hbm>> -> memref<256xi32, #tpu.memory_space<hbm>>
      %dma_wait3A_287 = tpu.memref_slice %arg2[%mul3A_69] : memref<100000xi32, #tpu.memory_space<hbm>> -> memref<256xi32, #tpu.memory_space<hbm>>
      tpu.wait_dma2 semaphore(%run_scoped3A : memref<!tpu.dma_semaphore, #tpu.memory_space<semaphore_mem>>) src(%dma_wait3A_287 : memref<256xi32, #tpu.memory_space<hbm>>) dst(%arg6 : memref<256xi32, #tpu.memory_space<vmem>>)
      tpu.yield
    }) : () -> ()
    %dma_wait3A_70 = arith.constant 0 : i32
    %dma_wait3A_71 = tpu.memref_slice %arg4[%mul3A_39, %dma_wait3A_70] : memref<100000x128xf32, #tpu.memory_space<hbm>> -> memref<256x128xf32, #tpu.memory_space<hbm>>
    %dma_wait3A_72 = arith.constant 0 : i32
    %dma_wait3A_73 = tpu.memref_slice %arg4[%mul3A_39, %dma_wait3A_72] : memref<100000x128xf32, #tpu.memory_space<hbm>> -> memref<256x128xf32, #tpu.memory_space<hbm>>
    tpu.wait_dma2 semaphore(%arg15 : memref<!tpu.dma_semaphore, #tpu.memory_space<semaphore_mem>>) src(%arg9 : memref<256x128xf32, #tpu.memory_space<vmem>>) dst(%dma_wait3A_73 : memref<256x128xf32, #tpu.memory_space<hbm>>)
    %dma_start3A_74 = arith.constant 0 : i32
    %dma_start3A_75 = arith.constant 0 : i32
    %dma_start3A_76 = tpu.memref_slice %arg13[%dma_start3A_74, %dma_start3A_75] : memref<10x128xf32, #tpu.memory_space<vmem_shared>> -> memref<10x128xf32, #tpu.memory_space<vmem_shared>>
    tpu.enqueue_indirect_dma source(%dma_start3A_76 : memref<10x128xf32, #tpu.memory_space<vmem_shared>>) target(%arg9 : memref<256x128xf32, #tpu.memory_space<vmem>>) offsets(%arg6 : memref<256xi32, #tpu.memory_space<vmem>>) semaphore(%arg14 : memref<!tpu.dma_semaphore, #tpu.memory_space<semaphore_mem>>)
    %dma_wait3A_77 = arith.constant 0 : i32
    %dma_wait3A_78 = arith.constant 0 : i32
    %dma_wait3A_79 = tpu.memref_slice %arg13[%dma_wait3A_77, %dma_wait3A_78] : memref<10x128xf32, #tpu.memory_space<vmem_shared>> -> memref<10x128xf32, #tpu.memory_space<vmem_shared>>
    tpu.wait_indirect_dma semaphore(%arg14 : memref<!tpu.dma_semaphore, #tpu.memory_space<semaphore_mem>>) src(%dma_wait3A_79 : memref<10x128xf32, #tpu.memory_space<vmem_shared>>) dst(%arg8 : memref<256x128xf32, #tpu.memory_space<vmem>>)
    %add3A_80 = arith.constant 96 : i32
    %add3A_81 = arith.addi %add3A, %add3A_80 : i32
    %mul3A_82 = arith.constant 256 : i32
    %mul3A_83 = arith.muli %add3A_81, %mul3A_82 : i32
    %dma_start3A_84 = arith.constant 0 : i32
    %dma_start3A_85 = tpu.memref_slice %arg4[%mul3A_83, %dma_start3A_84] : memref<100000x128xf32, #tpu.memory_space<hbm>> -> memref<256x128xf32, #tpu.memory_space<hbm>>
    %dma_start3A_86 = arith.constant 0 : i32
    %dma_start3A_87 = tpu.memref_slice %arg4[%mul3A_83, %dma_start3A_86] : memref<100000x128xf32, #tpu.memory_space<hbm>> -> memref<256x128xf32, #tpu.memory_space<hbm>>
    tpu.enqueue_dma source(%arg8 : memref<256x128xf32, #tpu.memory_space<vmem>>) target(%dma_start3A_87 : memref<256x128xf32, #tpu.memory_space<hbm>>) target_semaphore(%arg15 : memref<!tpu.dma_semaphore, #tpu.memory_space<semaphore_mem>>)
    %add3A_88 = arith.constant 160 : i32
    %add3A_89 = arith.addi %add3A, %add3A_88 : i32
    %mul3A_90 = arith.constant 256 : i32
    %mul3A_91 = arith.muli %add3A_89, %mul3A_90 : i32
    "tpu.region"() ({
      %run_scoped3A = tpu.sem_alloc : memref<!tpu.dma_semaphore, #tpu.memory_space<semaphore_mem>>
      %dma_start3A_284 = tpu.memref_slice %arg2[%mul3A_91] : memref<100000xi32, #tpu.memory_space<hbm>> -> memref<256xi32, #tpu.memory_space<hbm>>
      %dma_start3A_285 = tpu.memref_slice %arg2[%mul3A_91] : memref<100000xi32, #tpu.memory_space<hbm>> -> memref<256xi32, #tpu.memory_space<hbm>>
      tpu.enqueue_dma source(%dma_start3A_285 : memref<256xi32, #tpu.memory_space<hbm>>) target(%arg7 : memref<256xi32, #tpu.memory_space<vmem>>) target_semaphore(%run_scoped3A : memref<!tpu.dma_semaphore, #tpu.memory_space<semaphore_mem>>)
      %dma_wait3A_286 = tpu.memref_slice %arg2[%mul3A_91] : memref<100000xi32, #tpu.memory_space<hbm>> -> memref<256xi32, #tpu.memory_space<hbm>>
      %dma_wait3A_287 = tpu.memref_slice %arg2[%mul3A_91] : memref<100000xi32, #tpu.memory_space<hbm>> -> memref<256xi32, #tpu.memory_space<hbm>>
      tpu.wait_dma2 semaphore(%run_scoped3A : memref<!tpu.dma_semaphore, #tpu.memory_space<semaphore_mem>>) src(%dma_wait3A_287 : memref<256xi32, #tpu.memory_space<hbm>>) dst(%arg7 : memref<256xi32, #tpu.memory_space<vmem>>)
      tpu.yield
    }) : () -> ()
    %dma_wait3A_92 = arith.constant 0 : i32
    %dma_wait3A_93 = tpu.memref_slice %arg4[%mul3A_61, %dma_wait3A_92] : memref<100000x128xf32, #tpu.memory_space<hbm>> -> memref<256x128xf32, #tpu.memory_space<hbm>>
    %dma_wait3A_94 = arith.constant 0 : i32
    %dma_wait3A_95 = tpu.memref_slice %arg4[%mul3A_61, %dma_wait3A_94] : memref<100000x128xf32, #tpu.memory_space<hbm>> -> memref<256x128xf32, #tpu.memory_space<hbm>>
    tpu.wait_dma2 semaphore(%arg15 : memref<!tpu.dma_semaphore, #tpu.memory_space<semaphore_mem>>) src(%arg10 : memref<256x128xf32, #tpu.memory_space<vmem>>) dst(%dma_wait3A_95 : memref<256x128xf32, #tpu.memory_space<hbm>>)
    %dma_start3A_96 = arith.constant 0 : i32
    %dma_start3A_97 = arith.constant 0 : i32
    %dma_start3A_98 = tpu.memref_slice %arg13[%dma_start3A_96, %dma_start3A_97] : memref<10x128xf32, #tpu.memory_space<vmem_shared>> -> memref<10x128xf32, #tpu.memory_space<vmem_shared>>
    tpu.enqueue_indirect_dma source(%dma_start3A_98 : memref<10x128xf32, #tpu.memory_space<vmem_shared>>) target(%arg10 : memref<256x128xf32, #tpu.memory_space<vmem>>) offsets(%arg7 : memref<256xi32, #tpu.memory_space<vmem>>) semaphore(%arg14 : memref<!tpu.dma_semaphore, #tpu.memory_space<semaphore_mem>>)
    %dma_wait3A_99 = arith.constant 0 : i32
    %dma_wait3A_100 = arith.constant 0 : i32
    %dma_wait3A_101 = tpu.memref_slice %arg13[%dma_wait3A_99, %dma_wait3A_100] : memref<10x128xf32, #tpu.memory_space<vmem_shared>> -> memref<10x128xf32, #tpu.memory_space<vmem_shared>>
    tpu.wait_indirect_dma semaphore(%arg14 : memref<!tpu.dma_semaphore, #tpu.memory_space<semaphore_mem>>) src(%dma_wait3A_101 : memref<10x128xf32, #tpu.memory_space<vmem_shared>>) dst(%arg9 : memref<256x128xf32, #tpu.memory_space<vmem>>)
    %add3A_102 = arith.constant 128 : i32
    %add3A_103 = arith.addi %add3A, %add3A_102 : i32
    %mul3A_104 = arith.constant 256 : i32
    %mul3A_105 = arith.muli %add3A_103, %mul3A_104 : i32
    %dma_start3A_106 = arith.constant 0 : i32
    %dma_start3A_107 = tpu.memref_slice %arg4[%mul3A_105, %dma_start3A_106] : memref<100000x128xf32, #tpu.memory_space<hbm>> -> memref<256x128xf32, #tpu.memory_space<hbm>>
    %dma_start3A_108 = arith.constant 0 : i32
    %dma_start3A_109 = tpu.memref_slice %arg4[%mul3A_105, %dma_start3A_108] : memref<100000x128xf32, #tpu.memory_space<hbm>> -> memref<256x128xf32, #tpu.memory_space<hbm>>
    tpu.enqueue_dma source(%arg9 : memref<256x128xf32, #tpu.memory_space<vmem>>) target(%dma_start3A_109 : memref<256x128xf32, #tpu.memory_space<hbm>>) target_semaphore(%arg15 : memref<!tpu.dma_semaphore, #tpu.memory_space<semaphore_mem>>)
    %add3A_110 = arith.constant 192 : i32
    %add3A_111 = arith.addi %add3A, %add3A_110 : i32
    %mul3A_112 = arith.constant 256 : i32
    %mul3A_113 = arith.muli %add3A_111, %mul3A_112 : i32
    "tpu.region"() ({
      %run_scoped3A = tpu.sem_alloc : memref<!tpu.dma_semaphore, #tpu.memory_space<semaphore_mem>>
      %dma_start3A_284 = tpu.memref_slice %arg2[%mul3A_113] : memref<100000xi32, #tpu.memory_space<hbm>> -> memref<256xi32, #tpu.memory_space<hbm>>
      %dma_start3A_285 = tpu.memref_slice %arg2[%mul3A_113] : memref<100000xi32, #tpu.memory_space<hbm>> -> memref<256xi32, #tpu.memory_space<hbm>>
      tpu.enqueue_dma source(%dma_start3A_285 : memref<256xi32, #tpu.memory_space<hbm>>) target(%arg5 : memref<256xi32, #tpu.memory_space<vmem>>) target_semaphore(%run_scoped3A : memref<!tpu.dma_semaphore, #tpu.memory_space<semaphore_mem>>)
      %dma_wait3A_286 = tpu.memref_slice %arg2[%mul3A_113] : memref<100000xi32, #tpu.memory_space<hbm>> -> memref<256xi32, #tpu.memory_space<hbm>>
      %dma_wait3A_287 = tpu.memref_slice %arg2[%mul3A_113] : memref<100000xi32, #tpu.memory_space<hbm>> -> memref<256xi32, #tpu.memory_space<hbm>>
      tpu.wait_dma2 semaphore(%run_scoped3A : memref<!tpu.dma_semaphore, #tpu.memory_space<semaphore_mem>>) src(%dma_wait3A_287 : memref<256xi32, #tpu.memory_space<hbm>>) dst(%arg5 : memref<256xi32, #tpu.memory_space<vmem>>)
      tpu.yield
    }) : () -> ()
    %dma_wait3A_114 = arith.constant 0 : i32
    %dma_wait3A_115 = tpu.memref_slice %arg4[%mul3A_83, %dma_wait3A_114] : memref<100000x128xf32, #tpu.memory_space<hbm>> -> memref<256x128xf32, #tpu.memory_space<hbm>>
    %dma_wait3A_116 = arith.constant 0 : i32
    %dma_wait3A_117 = tpu.memref_slice %arg4[%mul3A_83, %dma_wait3A_116] : memref<100000x128xf32, #tpu.memory_space<hbm>> -> memref<256x128xf32, #tpu.memory_space<hbm>>
    tpu.wait_dma2 semaphore(%arg15 : memref<!tpu.dma_semaphore, #tpu.memory_space<semaphore_mem>>) src(%arg8 : memref<256x128xf32, #tpu.memory_space<vmem>>) dst(%dma_wait3A_117 : memref<256x128xf32, #tpu.memory_space<hbm>>)
    %dma_start3A_118 = arith.constant 0 : i32
    %dma_start3A_119 = arith.constant 0 : i32
    %dma_start3A_120 = tpu.memref_slice %arg13[%dma_start3A_118, %dma_start3A_119] : memref<10x128xf32, #tpu.memory_space<vmem_shared>> -> memref<10x128xf32, #tpu.memory_space<vmem_shared>>
    tpu.enqueue_indirect_dma source(%dma_start3A_120 : memref<10x128xf32, #tpu.memory_space<vmem_shared>>) target(%arg8 : memref<256x128xf32, #tpu.memory_space<vmem>>) offsets(%arg5 : memref<256xi32, #tpu.memory_space<vmem>>) semaphore(%arg14 : memref<!tpu.dma_semaphore, #tpu.memory_space<semaphore_mem>>)
    %dma_wait3A_121 = arith.constant 0 : i32
    %dma_wait3A_122 = arith.constant 0 : i32
    %dma_wait3A_123 = tpu.memref_slice %arg13[%dma_wait3A_121, %dma_wait3A_122] : memref<10x128xf32, #tpu.memory_space<vmem_shared>> -> memref<10x128xf32, #tpu.memory_space<vmem_shared>>
    tpu.wait_indirect_dma semaphore(%arg14 : memref<!tpu.dma_semaphore, #tpu.memory_space<semaphore_mem>>) src(%dma_wait3A_123 : memref<10x128xf32, #tpu.memory_space<vmem_shared>>) dst(%arg10 : memref<256x128xf32, #tpu.memory_space<vmem>>)
    %add3A_124 = arith.constant 160 : i32
    %add3A_125 = arith.addi %add3A, %add3A_124 : i32
    %mul3A_126 = arith.constant 256 : i32
    %mul3A_127 = arith.muli %add3A_125, %mul3A_126 : i32
    %dma_start3A_128 = arith.constant 0 : i32
    %dma_start3A_129 = tpu.memref_slice %arg4[%mul3A_127, %dma_start3A_128] : memref<100000x128xf32, #tpu.memory_space<hbm>> -> memref<256x128xf32, #tpu.memory_space<hbm>>
    %dma_start3A_130 = arith.constant 0 : i32
    %dma_start3A_131 = tpu.memref_slice %arg4[%mul3A_127, %dma_start3A_130] : memref<100000x128xf32, #tpu.memory_space<hbm>> -> memref<256x128xf32, #tpu.memory_space<hbm>>
    tpu.enqueue_dma source(%arg10 : memref<256x128xf32, #tpu.memory_space<vmem>>) target(%dma_start3A_131 : memref<256x128xf32, #tpu.memory_space<hbm>>) target_semaphore(%arg15 : memref<!tpu.dma_semaphore, #tpu.memory_space<semaphore_mem>>)
    %add3A_132 = arith.constant 224 : i32
    %add3A_133 = arith.addi %add3A, %add3A_132 : i32
    %mul3A_134 = arith.constant 256 : i32
    %mul3A_135 = arith.muli %add3A_133, %mul3A_134 : i32
    "tpu.region"() ({
      %run_scoped3A = tpu.sem_alloc : memref<!tpu.dma_semaphore, #tpu.memory_space<semaphore_mem>>
      %dma_start3A_284 = tpu.memref_slice %arg2[%mul3A_135] : memref<100000xi32, #tpu.memory_space<hbm>> -> memref<256xi32, #tpu.memory_space<hbm>>
      %dma_start3A_285 = tpu.memref_slice %arg2[%mul3A_135] : memref<100000xi32, #tpu.memory_space<hbm>> -> memref<256xi32, #tpu.memory_space<hbm>>
      tpu.enqueue_dma source(%dma_start3A_285 : memref<256xi32, #tpu.memory_space<hbm>>) target(%arg6 : memref<256xi32, #tpu.memory_space<vmem>>) target_semaphore(%run_scoped3A : memref<!tpu.dma_semaphore, #tpu.memory_space<semaphore_mem>>)
      %dma_wait3A_286 = tpu.memref_slice %arg2[%mul3A_135] : memref<100000xi32, #tpu.memory_space<hbm>> -> memref<256xi32, #tpu.memory_space<hbm>>
      %dma_wait3A_287 = tpu.memref_slice %arg2[%mul3A_135] : memref<100000xi32, #tpu.memory_space<hbm>> -> memref<256xi32, #tpu.memory_space<hbm>>
      tpu.wait_dma2 semaphore(%run_scoped3A : memref<!tpu.dma_semaphore, #tpu.memory_space<semaphore_mem>>) src(%dma_wait3A_287 : memref<256xi32, #tpu.memory_space<hbm>>) dst(%arg6 : memref<256xi32, #tpu.memory_space<vmem>>)
      tpu.yield
    }) : () -> ()
    %dma_wait3A_136 = arith.constant 0 : i32
    %dma_wait3A_137 = tpu.memref_slice %arg4[%mul3A_105, %dma_wait3A_136] : memref<100000x128xf32, #tpu.memory_space<hbm>> -> memref<256x128xf32, #tpu.memory_space<hbm>>
    %dma_wait3A_138 = arith.constant 0 : i32
    %dma_wait3A_139 = tpu.memref_slice %arg4[%mul3A_105, %dma_wait3A_138] : memref<100000x128xf32, #tpu.memory_space<hbm>> -> memref<256x128xf32, #tpu.memory_space<hbm>>
    tpu.wait_dma2 semaphore(%arg15 : memref<!tpu.dma_semaphore, #tpu.memory_space<semaphore_mem>>) src(%arg9 : memref<256x128xf32, #tpu.memory_space<vmem>>) dst(%dma_wait3A_139 : memref<256x128xf32, #tpu.memory_space<hbm>>)
    %dma_start3A_140 = arith.constant 0 : i32
    %dma_start3A_141 = arith.constant 0 : i32
    %dma_start3A_142 = tpu.memref_slice %arg13[%dma_start3A_140, %dma_start3A_141] : memref<10x128xf32, #tpu.memory_space<vmem_shared>> -> memref<10x128xf32, #tpu.memory_space<vmem_shared>>
    tpu.enqueue_indirect_dma source(%dma_start3A_142 : memref<10x128xf32, #tpu.memory_space<vmem_shared>>) target(%arg9 : memref<256x128xf32, #tpu.memory_space<vmem>>) offsets(%arg6 : memref<256xi32, #tpu.memory_space<vmem>>) semaphore(%arg14 : memref<!tpu.dma_semaphore, #tpu.memory_space<semaphore_mem>>)
    %dma_wait3A_143 = arith.constant 0 : i32
    %dma_wait3A_144 = arith.constant 0 : i32
    %dma_wait3A_145 = tpu.memref_slice %arg13[%dma_wait3A_143, %dma_wait3A_144] : memref<10x128xf32, #tpu.memory_space<vmem_shared>> -> memref<10x128xf32, #tpu.memory_space<vmem_shared>>
    tpu.wait_indirect_dma semaphore(%arg14 : memref<!tpu.dma_semaphore, #tpu.memory_space<semaphore_mem>>) src(%dma_wait3A_145 : memref<10x128xf32, #tpu.memory_space<vmem_shared>>) dst(%arg8 : memref<256x128xf32, #tpu.memory_space<vmem>>)
    %add3A_146 = arith.constant 192 : i32
    %add3A_147 = arith.addi %add3A, %add3A_146 : i32
    %mul3A_148 = arith.constant 256 : i32
    %mul3A_149 = arith.muli %add3A_147, %mul3A_148 : i32
    %dma_start3A_150 = arith.constant 0 : i32
    %dma_start3A_151 = tpu.memref_slice %arg4[%mul3A_149, %dma_start3A_150] : memref<100000x128xf32, #tpu.memory_space<hbm>> -> memref<256x128xf32, #tpu.memory_space<hbm>>
    %dma_start3A_152 = arith.constant 0 : i32
    %dma_start3A_153 = tpu.memref_slice %arg4[%mul3A_149, %dma_start3A_152] : memref<100000x128xf32, #tpu.memory_space<hbm>> -> memref<256x128xf32, #tpu.memory_space<hbm>>
    tpu.enqueue_dma source(%arg8 : memref<256x128xf32, #tpu.memory_space<vmem>>) target(%dma_start3A_153 : memref<256x128xf32, #tpu.memory_space<hbm>>) target_semaphore(%arg15 : memref<!tpu.dma_semaphore, #tpu.memory_space<semaphore_mem>>)
    %add3A_154 = arith.constant 256 : i32
    %add3A_155 = arith.addi %add3A, %add3A_154 : i32
    %mul3A_156 = arith.constant 256 : i32
    %mul3A_157 = arith.muli %add3A_155, %mul3A_156 : i32
    "tpu.region"() ({
      %run_scoped3A = tpu.sem_alloc : memref<!tpu.dma_semaphore, #tpu.memory_space<semaphore_mem>>
      %dma_start3A_284 = tpu.memref_slice %arg2[%mul3A_157] : memref<100000xi32, #tpu.memory_space<hbm>> -> memref<256xi32, #tpu.memory_space<hbm>>
      %dma_start3A_285 = tpu.memref_slice %arg2[%mul3A_157] : memref<100000xi32, #tpu.memory_space<hbm>> -> memref<256xi32, #tpu.memory_space<hbm>>
      tpu.enqueue_dma source(%dma_start3A_285 : memref<256xi32, #tpu.memory_space<hbm>>) target(%arg7 : memref<256xi32, #tpu.memory_space<vmem>>) target_semaphore(%run_scoped3A : memref<!tpu.dma_semaphore, #tpu.memory_space<semaphore_mem>>)
      %dma_wait3A_286 = tpu.memref_slice %arg2[%mul3A_157] : memref<100000xi32, #tpu.memory_space<hbm>> -> memref<256xi32, #tpu.memory_space<hbm>>
      %dma_wait3A_287 = tpu.memref_slice %arg2[%mul3A_157] : memref<100000xi32, #tpu.memory_space<hbm>> -> memref<256xi32, #tpu.memory_space<hbm>>
      tpu.wait_dma2 semaphore(%run_scoped3A : memref<!tpu.dma_semaphore, #tpu.memory_space<semaphore_mem>>) src(%dma_wait3A_287 : memref<256xi32, #tpu.memory_space<hbm>>) dst(%arg7 : memref<256xi32, #tpu.memory_space<vmem>>)
      tpu.yield
    }) : () -> ()
    %dma_wait3A_158 = arith.constant 0 : i32
    %dma_wait3A_159 = tpu.memref_slice %arg4[%mul3A_127, %dma_wait3A_158] : memref<100000x128xf32, #tpu.memory_space<hbm>> -> memref<256x128xf32, #tpu.memory_space<hbm>>
    %dma_wait3A_160 = arith.constant 0 : i32
    %dma_wait3A_161 = tpu.memref_slice %arg4[%mul3A_127, %dma_wait3A_160] : memref<100000x128xf32, #tpu.memory_space<hbm>> -> memref<256x128xf32, #tpu.memory_space<hbm>>
    tpu.wait_dma2 semaphore(%arg15 : memref<!tpu.dma_semaphore, #tpu.memory_space<semaphore_mem>>) src(%arg10 : memref<256x128xf32, #tpu.memory_space<vmem>>) dst(%dma_wait3A_161 : memref<256x128xf32, #tpu.memory_space<hbm>>)
    %dma_start3A_162 = arith.constant 0 : i32
    %dma_start3A_163 = arith.constant 0 : i32
    %dma_start3A_164 = tpu.memref_slice %arg13[%dma_start3A_162, %dma_start3A_163] : memref<10x128xf32, #tpu.memory_space<vmem_shared>> -> memref<10x128xf32, #tpu.memory_space<vmem_shared>>
    tpu.enqueue_indirect_dma source(%dma_start3A_164 : memref<10x128xf32, #tpu.memory_space<vmem_shared>>) target(%arg10 : memref<256x128xf32, #tpu.memory_space<vmem>>) offsets(%arg7 : memref<256xi32, #tpu.memory_space<vmem>>) semaphore(%arg14 : memref<!tpu.dma_semaphore, #tpu.memory_space<semaphore_mem>>)
    %dma_wait3A_165 = arith.constant 0 : i32
    %dma_wait3A_166 = arith.constant 0 : i32
    %dma_wait3A_167 = tpu.memref_slice %arg13[%dma_wait3A_165, %dma_wait3A_166] : memref<10x128xf32, #tpu.memory_space<vmem_shared>> -> memref<10x128xf32, #tpu.memory_space<vmem_shared>>
    tpu.wait_indirect_dma semaphore(%arg14 : memref<!tpu.dma_semaphore, #tpu.memory_space<semaphore_mem>>) src(%dma_wait3A_167 : memref<10x128xf32, #tpu.memory_space<vmem_shared>>) dst(%arg9 : memref<256x128xf32, #tpu.memory_space<vmem>>)
    %add3A_168 = arith.constant 224 : i32
    %add3A_169 = arith.addi %add3A, %add3A_168 : i32
    %mul3A_170 = arith.constant 256 : i32
    %mul3A_171 = arith.muli %add3A_169, %mul3A_170 : i32
    %dma_start3A_172 = arith.constant 0 : i32
    %dma_start3A_173 = tpu.memref_slice %arg4[%mul3A_171, %dma_start3A_172] : memref<100000x128xf32, #tpu.memory_space<hbm>> -> memref<256x128xf32, #tpu.memory_space<hbm>>
    %dma_start3A_174 = arith.constant 0 : i32
    %dma_start3A_175 = tpu.memref_slice %arg4[%mul3A_171, %dma_start3A_174] : memref<100000x128xf32, #tpu.memory_space<hbm>> -> memref<256x128xf32, #tpu.memory_space<hbm>>
    tpu.enqueue_dma source(%arg9 : memref<256x128xf32, #tpu.memory_space<vmem>>) target(%dma_start3A_175 : memref<256x128xf32, #tpu.memory_space<hbm>>) target_semaphore(%arg15 : memref<!tpu.dma_semaphore, #tpu.memory_space<semaphore_mem>>)
    %add3A_176 = arith.constant 288 : i32
    %add3A_177 = arith.addi %add3A, %add3A_176 : i32
    %mul3A_178 = arith.constant 256 : i32
    %mul3A_179 = arith.muli %add3A_177, %mul3A_178 : i32
    "tpu.region"() ({
      %run_scoped3A = tpu.sem_alloc : memref<!tpu.dma_semaphore, #tpu.memory_space<semaphore_mem>>
      %dma_start3A_284 = tpu.memref_slice %arg2[%mul3A_179] : memref<100000xi32, #tpu.memory_space<hbm>> -> memref<256xi32, #tpu.memory_space<hbm>>
      %dma_start3A_285 = tpu.memref_slice %arg2[%mul3A_179] : memref<100000xi32, #tpu.memory_space<hbm>> -> memref<256xi32, #tpu.memory_space<hbm>>
      tpu.enqueue_dma source(%dma_start3A_285 : memref<256xi32, #tpu.memory_space<hbm>>) target(%arg5 : memref<256xi32, #tpu.memory_space<vmem>>) target_semaphore(%run_scoped3A : memref<!tpu.dma_semaphore, #tpu.memory_space<semaphore_mem>>)
      %dma_wait3A_286 = tpu.memref_slice %arg2[%mul3A_179] : memref<100000xi32, #tpu.memory_space<hbm>> -> memref<256xi32, #tpu.memory_space<hbm>>
      %dma_wait3A_287 = tpu.memref_slice %arg2[%mul3A_179] : memref<100000xi32, #tpu.memory_space<hbm>> -> memref<256xi32, #tpu.memory_space<hbm>>
      tpu.wait_dma2 semaphore(%run_scoped3A : memref<!tpu.dma_semaphore, #tpu.memory_space<semaphore_mem>>) src(%dma_wait3A_287 : memref<256xi32, #tpu.memory_space<hbm>>) dst(%arg5 : memref<256xi32, #tpu.memory_space<vmem>>)
      tpu.yield
    }) : () -> ()
    %dma_wait3A_180 = arith.constant 0 : i32
    %dma_wait3A_181 = tpu.memref_slice %arg4[%mul3A_149, %dma_wait3A_180] : memref<100000x128xf32, #tpu.memory_space<hbm>> -> memref<256x128xf32, #tpu.memory_space<hbm>>
    %dma_wait3A_182 = arith.constant 0 : i32
    %dma_wait3A_183 = tpu.memref_slice %arg4[%mul3A_149, %dma_wait3A_182] : memref<100000x128xf32, #tpu.memory_space<hbm>> -> memref<256x128xf32, #tpu.memory_space<hbm>>
    tpu.wait_dma2 semaphore(%arg15 : memref<!tpu.dma_semaphore, #tpu.memory_space<semaphore_mem>>) src(%arg8 : memref<256x128xf32, #tpu.memory_space<vmem>>) dst(%dma_wait3A_183 : memref<256x128xf32, #tpu.memory_space<hbm>>)
    %dma_start3A_184 = arith.constant 0 : i32
    %dma_start3A_185 = arith.constant 0 : i32
    %dma_start3A_186 = tpu.memref_slice %arg13[%dma_start3A_184, %dma_start3A_185] : memref<10x128xf32, #tpu.memory_space<vmem_shared>> -> memref<10x128xf32, #tpu.memory_space<vmem_shared>>
    tpu.enqueue_indirect_dma source(%dma_start3A_186 : memref<10x128xf32, #tpu.memory_space<vmem_shared>>) target(%arg8 : memref<256x128xf32, #tpu.memory_space<vmem>>) offsets(%arg5 : memref<256xi32, #tpu.memory_space<vmem>>) semaphore(%arg14 : memref<!tpu.dma_semaphore, #tpu.memory_space<semaphore_mem>>)
    %dma_wait3A_187 = arith.constant 0 : i32
    %dma_wait3A_188 = arith.constant 0 : i32
    %dma_wait3A_189 = tpu.memref_slice %arg13[%dma_wait3A_187, %dma_wait3A_188] : memref<10x128xf32, #tpu.memory_space<vmem_shared>> -> memref<10x128xf32, #tpu.memory_space<vmem_shared>>
    tpu.wait_indirect_dma semaphore(%arg14 : memref<!tpu.dma_semaphore, #tpu.memory_space<semaphore_mem>>) src(%dma_wait3A_189 : memref<10x128xf32, #tpu.memory_space<vmem_shared>>) dst(%arg10 : memref<256x128xf32, #tpu.memory_space<vmem>>)
    %add3A_190 = arith.constant 256 : i32
    %add3A_191 = arith.addi %add3A, %add3A_190 : i32
    %mul3A_192 = arith.constant 256 : i32
    %mul3A_193 = arith.muli %add3A_191, %mul3A_192 : i32
    %dma_start3A_194 = arith.constant 0 : i32
    %dma_start3A_195 = tpu.memref_slice %arg4[%mul3A_193, %dma_start3A_194] : memref<100000x128xf32, #tpu.memory_space<hbm>> -> memref<256x128xf32, #tpu.memory_space<hbm>>
    %dma_start3A_196 = arith.constant 0 : i32
    %dma_start3A_197 = tpu.memref_slice %arg4[%mul3A_193, %dma_start3A_196] : memref<100000x128xf32, #tpu.memory_space<hbm>> -> memref<256x128xf32, #tpu.memory_space<hbm>>
    tpu.enqueue_dma source(%arg10 : memref<256x128xf32, #tpu.memory_space<vmem>>) target(%dma_start3A_197 : memref<256x128xf32, #tpu.memory_space<hbm>>) target_semaphore(%arg15 : memref<!tpu.dma_semaphore, #tpu.memory_space<semaphore_mem>>)
    %add3A_198 = arith.constant 320 : i32
    %add3A_199 = arith.addi %add3A, %add3A_198 : i32
    %mul3A_200 = arith.constant 256 : i32
    %mul3A_201 = arith.muli %add3A_199, %mul3A_200 : i32
    "tpu.region"() ({
      %run_scoped3A = tpu.sem_alloc : memref<!tpu.dma_semaphore, #tpu.memory_space<semaphore_mem>>
      %dma_start3A_284 = tpu.memref_slice %arg2[%mul3A_201] : memref<100000xi32, #tpu.memory_space<hbm>> -> memref<256xi32, #tpu.memory_space<hbm>>
      %dma_start3A_285 = tpu.memref_slice %arg2[%mul3A_201] : memref<100000xi32, #tpu.memory_space<hbm>> -> memref<256xi32, #tpu.memory_space<hbm>>
      tpu.enqueue_dma source(%dma_start3A_285 : memref<256xi32, #tpu.memory_space<hbm>>) target(%arg6 : memref<256xi32, #tpu.memory_space<vmem>>) target_semaphore(%run_scoped3A : memref<!tpu.dma_semaphore, #tpu.memory_space<semaphore_mem>>)
      %dma_wait3A_286 = tpu.memref_slice %arg2[%mul3A_201] : memref<100000xi32, #tpu.memory_space<hbm>> -> memref<256xi32, #tpu.memory_space<hbm>>
      %dma_wait3A_287 = tpu.memref_slice %arg2[%mul3A_201] : memref<100000xi32, #tpu.memory_space<hbm>> -> memref<256xi32, #tpu.memory_space<hbm>>
      tpu.wait_dma2 semaphore(%run_scoped3A : memref<!tpu.dma_semaphore, #tpu.memory_space<semaphore_mem>>) src(%dma_wait3A_287 : memref<256xi32, #tpu.memory_space<hbm>>) dst(%arg6 : memref<256xi32, #tpu.memory_space<vmem>>)
      tpu.yield
    }) : () -> ()
    %dma_wait3A_202 = arith.constant 0 : i32
    %dma_wait3A_203 = tpu.memref_slice %arg4[%mul3A_171, %dma_wait3A_202] : memref<100000x128xf32, #tpu.memory_space<hbm>> -> memref<256x128xf32, #tpu.memory_space<hbm>>
    %dma_wait3A_204 = arith.constant 0 : i32
    %dma_wait3A_205 = tpu.memref_slice %arg4[%mul3A_171, %dma_wait3A_204] : memref<100000x128xf32, #tpu.memory_space<hbm>> -> memref<256x128xf32, #tpu.memory_space<hbm>>
    tpu.wait_dma2 semaphore(%arg15 : memref<!tpu.dma_semaphore, #tpu.memory_space<semaphore_mem>>) src(%arg9 : memref<256x128xf32, #tpu.memory_space<vmem>>) dst(%dma_wait3A_205 : memref<256x128xf32, #tpu.memory_space<hbm>>)
    %dma_start3A_206 = arith.constant 0 : i32
    %dma_start3A_207 = arith.constant 0 : i32
    %dma_start3A_208 = tpu.memref_slice %arg13[%dma_start3A_206, %dma_start3A_207] : memref<10x128xf32, #tpu.memory_space<vmem_shared>> -> memref<10x128xf32, #tpu.memory_space<vmem_shared>>
    tpu.enqueue_indirect_dma source(%dma_start3A_208 : memref<10x128xf32, #tpu.memory_space<vmem_shared>>) target(%arg9 : memref<256x128xf32, #tpu.memory_space<vmem>>) offsets(%arg6 : memref<256xi32, #tpu.memory_space<vmem>>) semaphore(%arg14 : memref<!tpu.dma_semaphore, #tpu.memory_space<semaphore_mem>>)
    %dma_wait3A_209 = arith.constant 0 : i32
    %dma_wait3A_210 = arith.constant 0 : i32
    %dma_wait3A_211 = tpu.memref_slice %arg13[%dma_wait3A_209, %dma_wait3A_210] : memref<10x128xf32, #tpu.memory_space<vmem_shared>> -> memref<10x128xf32, #tpu.memory_space<vmem_shared>>
    tpu.wait_indirect_dma semaphore(%arg14 : memref<!tpu.dma_semaphore, #tpu.memory_space<semaphore_mem>>) src(%dma_wait3A_211 : memref<10x128xf32, #tpu.memory_space<vmem_shared>>) dst(%arg8 : memref<256x128xf32, #tpu.memory_space<vmem>>)
    %add3A_212 = arith.constant 288 : i32
    %add3A_213 = arith.addi %add3A, %add3A_212 : i32
    %mul3A_214 = arith.constant 256 : i32
    %mul3A_215 = arith.muli %add3A_213, %mul3A_214 : i32
    %dma_start3A_216 = arith.constant 0 : i32
    %dma_start3A_217 = tpu.memref_slice %arg4[%mul3A_215, %dma_start3A_216] : memref<100000x128xf32, #tpu.memory_space<hbm>> -> memref<256x128xf32, #tpu.memory_space<hbm>>
    %dma_start3A_218 = arith.constant 0 : i32
    %dma_start3A_219 = tpu.memref_slice %arg4[%mul3A_215, %dma_start3A_218] : memref<100000x128xf32, #tpu.memory_space<hbm>> -> memref<256x128xf32, #tpu.memory_space<hbm>>
    tpu.enqueue_dma source(%arg8 : memref<256x128xf32, #tpu.memory_space<vmem>>) target(%dma_start3A_219 : memref<256x128xf32, #tpu.memory_space<hbm>>) target_semaphore(%arg15 : memref<!tpu.dma_semaphore, #tpu.memory_space<semaphore_mem>>)
    %add3A_220 = arith.constant 352 : i32
    %add3A_221 = arith.addi %add3A, %add3A_220 : i32
    %mul3A_222 = arith.constant 256 : i32
    %mul3A_223 = arith.muli %add3A_221, %mul3A_222 : i32
    "tpu.region"() ({
      %run_scoped3A = tpu.sem_alloc : memref<!tpu.dma_semaphore, #tpu.memory_space<semaphore_mem>>
      %dma_start3A_284 = tpu.memref_slice %arg2[%mul3A_223] : memref<100000xi32, #tpu.memory_space<hbm>> -> memref<256xi32, #tpu.memory_space<hbm>>
      %dma_start3A_285 = tpu.memref_slice %arg2[%mul3A_223] : memref<100000xi32, #tpu.memory_space<hbm>> -> memref<256xi32, #tpu.memory_space<hbm>>
      tpu.enqueue_dma source(%dma_start3A_285 : memref<256xi32, #tpu.memory_space<hbm>>) target(%arg7 : memref<256xi32, #tpu.memory_space<vmem>>) target_semaphore(%run_scoped3A : memref<!tpu.dma_semaphore, #tpu.memory_space<semaphore_mem>>)
      %dma_wait3A_286 = tpu.memref_slice %arg2[%mul3A_223] : memref<100000xi32, #tpu.memory_space<hbm>> -> memref<256xi32, #tpu.memory_space<hbm>>
      %dma_wait3A_287 = tpu.memref_slice %arg2[%mul3A_223] : memref<100000xi32, #tpu.memory_space<hbm>> -> memref<256xi32, #tpu.memory_space<hbm>>
      tpu.wait_dma2 semaphore(%run_scoped3A : memref<!tpu.dma_semaphore, #tpu.memory_space<semaphore_mem>>) src(%dma_wait3A_287 : memref<256xi32, #tpu.memory_space<hbm>>) dst(%arg7 : memref<256xi32, #tpu.memory_space<vmem>>)
      tpu.yield
    }) : () -> ()
    %dma_wait3A_224 = arith.constant 0 : i32
    %dma_wait3A_225 = tpu.memref_slice %arg4[%mul3A_193, %dma_wait3A_224] : memref<100000x128xf32, #tpu.memory_space<hbm>> -> memref<256x128xf32, #tpu.memory_space<hbm>>
    %dma_wait3A_226 = arith.constant 0 : i32
    %dma_wait3A_227 = tpu.memref_slice %arg4[%mul3A_193, %dma_wait3A_226] : memref<100000x128xf32, #tpu.memory_space<hbm>> -> memref<256x128xf32, #tpu.memory_space<hbm>>
    tpu.wait_dma2 semaphore(%arg15 : memref<!tpu.dma_semaphore, #tpu.memory_space<semaphore_mem>>) src(%arg10 : memref<256x128xf32, #tpu.memory_space<vmem>>) dst(%dma_wait3A_227 : memref<256x128xf32, #tpu.memory_space<hbm>>)
    %dma_start3A_228 = arith.constant 0 : i32
    %dma_start3A_229 = arith.constant 0 : i32
    %dma_start3A_230 = tpu.memref_slice %arg13[%dma_start3A_228, %dma_start3A_229] : memref<10x128xf32, #tpu.memory_space<vmem_shared>> -> memref<10x128xf32, #tpu.memory_space<vmem_shared>>
    tpu.enqueue_indirect_dma source(%dma_start3A_230 : memref<10x128xf32, #tpu.memory_space<vmem_shared>>) target(%arg10 : memref<256x128xf32, #tpu.memory_space<vmem>>) offsets(%arg7 : memref<256xi32, #tpu.memory_space<vmem>>) semaphore(%arg14 : memref<!tpu.dma_semaphore, #tpu.memory_space<semaphore_mem>>)
    %dma_wait3A_231 = arith.constant 0 : i32
    %dma_wait3A_232 = arith.constant 0 : i32
    %dma_wait3A_233 = tpu.memref_slice %arg13[%dma_wait3A_231, %dma_wait3A_232] : memref<10x128xf32, #tpu.memory_space<vmem_shared>> -> memref<10x128xf32, #tpu.memory_space<vmem_shared>>
    tpu.wait_indirect_dma semaphore(%arg14 : memref<!tpu.dma_semaphore, #tpu.memory_space<semaphore_mem>>) src(%dma_wait3A_233 : memref<10x128xf32, #tpu.memory_space<vmem_shared>>) dst(%arg9 : memref<256x128xf32, #tpu.memory_space<vmem>>)
    %add3A_234 = arith.constant 320 : i32
    %add3A_235 = arith.addi %add3A, %add3A_234 : i32
    %mul3A_236 = arith.constant 256 : i32
    %mul3A_237 = arith.muli %add3A_235, %mul3A_236 : i32
    %dma_start3A_238 = arith.constant 0 : i32
    %dma_start3A_239 = tpu.memref_slice %arg4[%mul3A_237, %dma_start3A_238] : memref<100000x128xf32, #tpu.memory_space<hbm>> -> memref<256x128xf32, #tpu.memory_space<hbm>>
    %dma_start3A_240 = arith.constant 0 : i32
    %dma_start3A_241 = tpu.memref_slice %arg4[%mul3A_237, %dma_start3A_240] : memref<100000x128xf32, #tpu.memory_space<hbm>> -> memref<256x128xf32, #tpu.memory_space<hbm>>
    tpu.enqueue_dma source(%arg9 : memref<256x128xf32, #tpu.memory_space<vmem>>) target(%dma_start3A_241 : memref<256x128xf32, #tpu.memory_space<hbm>>) target_semaphore(%arg15 : memref<!tpu.dma_semaphore, #tpu.memory_space<semaphore_mem>>)
    %lt3A = arith.constant 6 : i32
    %lt3A_242 = arith.cmpi slt, %add3A, %lt3A : i32
    %convert_element_type3A_243 = arith.extui %lt3A_242 : i1 to i32
    %cond3A_244 = arith.constant 0 : i32
    %cond3A_245 = arith.cmpi ne, %convert_element_type3A_243, %cond3A_244 : i32
    scf.if %cond3A_245 {
      %add3A_284 = arith.constant 384 : i32
      %add3A_285 = arith.addi %add3A, %add3A_284 : i32
      %mul3A_286 = arith.constant 256 : i32
      %mul3A_287 = arith.muli %add3A_285, %mul3A_286 : i32
      "tpu.region"() ({
        %run_scoped3A = tpu.sem_alloc : memref<!tpu.dma_semaphore, #tpu.memory_space<semaphore_mem>>
        %dma_start3A_288 = tpu.memref_slice %arg2[%mul3A_287] : memref<100000xi32, #tpu.memory_space<hbm>> -> memref<256xi32, #tpu.memory_space<hbm>>
        %dma_start3A_289 = tpu.memref_slice %arg2[%mul3A_287] : memref<100000xi32, #tpu.memory_space<hbm>> -> memref<256xi32, #tpu.memory_space<hbm>>
        tpu.enqueue_dma source(%dma_start3A_289 : memref<256xi32, #tpu.memory_space<hbm>>) target(%arg5 : memref<256xi32, #tpu.memory_space<vmem>>) target_semaphore(%run_scoped3A : memref<!tpu.dma_semaphore, #tpu.memory_space<semaphore_mem>>)
        %dma_wait3A_290 = tpu.memref_slice %arg2[%mul3A_287] : memref<100000xi32, #tpu.memory_space<hbm>> -> memref<256xi32, #tpu.memory_space<hbm>>
        %dma_wait3A_291 = tpu.memref_slice %arg2[%mul3A_287] : memref<100000xi32, #tpu.memory_space<hbm>> -> memref<256xi32, #tpu.memory_space<hbm>>
        tpu.wait_dma2 semaphore(%run_scoped3A : memref<!tpu.dma_semaphore, #tpu.memory_space<semaphore_mem>>) src(%dma_wait3A_291 : memref<256xi32, #tpu.memory_space<hbm>>) dst(%arg5 : memref<256xi32, #tpu.memory_space<vmem>>)
        tpu.yield
      }) : () -> ()
    } else {
    }
    %dma_wait3A_246 = arith.constant 0 : i32
    %dma_wait3A_247 = tpu.memref_slice %arg4[%mul3A_215, %dma_wait3A_246] : memref<100000x128xf32, #tpu.memory_space<hbm>> -> memref<256x128xf32, #tpu.memory_space<hbm>>
    %dma_wait3A_248 = arith.constant 0 : i32
    %dma_wait3A_249 = tpu.memref_slice %arg4[%mul3A_215, %dma_wait3A_248] : memref<100000x128xf32, #tpu.memory_space<hbm>> -> memref<256x128xf32, #tpu.memory_space<hbm>>
    tpu.wait_dma2 semaphore(%arg15 : memref<!tpu.dma_semaphore, #tpu.memory_space<semaphore_mem>>) src(%arg8 : memref<256x128xf32, #tpu.memory_space<vmem>>) dst(%dma_wait3A_249 : memref<256x128xf32, #tpu.memory_space<hbm>>)
    %lt3A_250 = arith.constant 6 : i32
    %lt3A_251 = arith.cmpi slt, %add3A, %lt3A_250 : i32
    %convert_element_type3A_252 = arith.extui %lt3A_251 : i1 to i32
    %cond3A_253 = arith.constant 0 : i32
    %cond3A_254 = arith.cmpi ne, %convert_element_type3A_252, %cond3A_253 : i32
    scf.if %cond3A_254 {
      %dma_start3A_284 = arith.constant 0 : i32
      %dma_start3A_285 = arith.constant 0 : i32
      %dma_start3A_286 = tpu.memref_slice %arg13[%dma_start3A_284, %dma_start3A_285] : memref<10x128xf32, #tpu.memory_space<vmem_shared>> -> memref<10x128xf32, #tpu.memory_space<vmem_shared>>
      tpu.enqueue_indirect_dma source(%dma_start3A_286 : memref<10x128xf32, #tpu.memory_space<vmem_shared>>) target(%arg8 : memref<256x128xf32, #tpu.memory_space<vmem>>) offsets(%arg5 : memref<256xi32, #tpu.memory_space<vmem>>) semaphore(%arg14 : memref<!tpu.dma_semaphore, #tpu.memory_space<semaphore_mem>>)
    } else {
    }
    %dma_wait3A_255 = arith.constant 0 : i32
    %dma_wait3A_256 = arith.constant 0 : i32
    %dma_wait3A_257 = tpu.memref_slice %arg13[%dma_wait3A_255, %dma_wait3A_256] : memref<10x128xf32, #tpu.memory_space<vmem_shared>> -> memref<10x128xf32, #tpu.memory_space<vmem_shared>>
    tpu.wait_indirect_dma semaphore(%arg14 : memref<!tpu.dma_semaphore, #tpu.memory_space<semaphore_mem>>) src(%dma_wait3A_257 : memref<10x128xf32, #tpu.memory_space<vmem_shared>>) dst(%arg10 : memref<256x128xf32, #tpu.memory_space<vmem>>)
    %add3A_258 = arith.constant 352 : i32
    %add3A_259 = arith.addi %add3A, %add3A_258 : i32
    %mul3A_260 = arith.constant 256 : i32
    %mul3A_261 = arith.muli %add3A_259, %mul3A_260 : i32
    %dma_start3A_262 = arith.constant 0 : i32
    %dma_start3A_263 = tpu.memref_slice %arg4[%mul3A_261, %dma_start3A_262] : memref<100000x128xf32, #tpu.memory_space<hbm>> -> memref<256x128xf32, #tpu.memory_space<hbm>>
    %dma_start3A_264 = arith.constant 0 : i32
    %dma_start3A_265 = tpu.memref_slice %arg4[%mul3A_261, %dma_start3A_264] : memref<100000x128xf32, #tpu.memory_space<hbm>> -> memref<256x128xf32, #tpu.memory_space<hbm>>
    tpu.enqueue_dma source(%arg10 : memref<256x128xf32, #tpu.memory_space<vmem>>) target(%dma_start3A_265 : memref<256x128xf32, #tpu.memory_space<hbm>>) target_semaphore(%arg15 : memref<!tpu.dma_semaphore, #tpu.memory_space<semaphore_mem>>)
    %lt3A_266 = arith.constant 6 : i32
    %lt3A_267 = arith.cmpi slt, %add3A, %lt3A_266 : i32
    %convert_element_type3A_268 = arith.extui %lt3A_267 : i1 to i32
    %cond3A_269 = arith.constant 0 : i32
    %cond3A_270 = arith.cmpi ne, %convert_element_type3A_268, %cond3A_269 : i32
    scf.if %cond3A_270 {
      %dma_wait3A_284 = arith.constant 0 : i32
      %dma_wait3A_285 = arith.constant 0 : i32
      %dma_wait3A_286 = tpu.memref_slice %arg13[%dma_wait3A_284, %dma_wait3A_285] : memref<10x128xf32, #tpu.memory_space<vmem_shared>> -> memref<10x128xf32, #tpu.memory_space<vmem_shared>>
      tpu.wait_indirect_dma semaphore(%arg14 : memref<!tpu.dma_semaphore, #tpu.memory_space<semaphore_mem>>) src(%dma_wait3A_286 : memref<10x128xf32, #tpu.memory_space<vmem_shared>>) dst(%arg8 : memref<256x128xf32, #tpu.memory_space<vmem>>)
      %add3A_287 = arith.constant 384 : i32
      %add3A_288 = arith.addi %add3A, %add3A_287 : i32
      %mul3A_289 = arith.constant 256 : i32
      %mul3A_290 = arith.muli %add3A_288, %mul3A_289 : i32
      %dma_start3A_291 = arith.constant 0 : i32
      %dma_start3A_292 = tpu.memref_slice %arg4[%mul3A_290, %dma_start3A_291] : memref<100000x128xf32, #tpu.memory_space<hbm>> -> memref<256x128xf32, #tpu.memory_space<hbm>>
      %dma_start3A_293 = arith.constant 0 : i32
      %dma_start3A_294 = tpu.memref_slice %arg4[%mul3A_290, %dma_start3A_293] : memref<100000x128xf32, #tpu.memory_space<hbm>> -> memref<256x128xf32, #tpu.memory_space<hbm>>
      tpu.enqueue_dma source(%arg8 : memref<256x128xf32, #tpu.memory_space<vmem>>) target(%dma_start3A_294 : memref<256x128xf32, #tpu.memory_space<hbm>>) target_semaphore(%arg15 : memref<!tpu.dma_semaphore, #tpu.memory_space<semaphore_mem>>)
      %dma_wait3A_295 = arith.constant 0 : i32
      %dma_wait3A_296 = tpu.memref_slice %arg4[%mul3A_237, %dma_wait3A_295] : memref<100000x128xf32, #tpu.memory_space<hbm>> -> memref<256x128xf32, #tpu.memory_space<hbm>>
      %dma_wait3A_297 = arith.constant 0 : i32
      %dma_wait3A_298 = tpu.memref_slice %arg4[%mul3A_237, %dma_wait3A_297] : memref<100000x128xf32, #tpu.memory_space<hbm>> -> memref<256x128xf32, #tpu.memory_space<hbm>>
      tpu.wait_dma2 semaphore(%arg15 : memref<!tpu.dma_semaphore, #tpu.memory_space<semaphore_mem>>) src(%arg9 : memref<256x128xf32, #tpu.memory_space<vmem>>) dst(%dma_wait3A_298 : memref<256x128xf32, #tpu.memory_space<hbm>>)
    } else {
    }
    %eq3A_271 = arith.constant 31 : i32
    %eq3A_272 = arith.cmpi eq, %add3A, %eq3A_271 : i32
    %convert_element_type3A_273 = arith.extui %eq3A_272 : i1 to i32
    %cond3A_274 = arith.constant 0 : i32
    %cond3A_275 = arith.cmpi ne, %convert_element_type3A_273, %cond3A_274 : i32
    scf.if %cond3A_275 {
      "tpu.region"() ({
        %run_scoped3A = tpu.sem_alloc : memref<!tpu.dma_semaphore, #tpu.memory_space<semaphore_mem>>
        %dma_start3A_302 = arith.constant 99840 : i32
        %dma_start3A_303 = tpu.memref_slice %arg2[%dma_start3A_302] : memref<100000xi32, #tpu.memory_space<hbm>> -> memref<160xi32, #tpu.memory_space<hbm>>
        %dma_start3A_304 = arith.constant 99840 : i32
        %dma_start3A_305 = tpu.memref_slice %arg2[%dma_start3A_304] : memref<100000xi32, #tpu.memory_space<hbm>> -> memref<160xi32, #tpu.memory_space<hbm>>
        tpu.enqueue_dma source(%dma_start3A_305 : memref<160xi32, #tpu.memory_space<hbm>>) target(%arg11 : memref<160xi32, #tpu.memory_space<vmem>>) target_semaphore(%run_scoped3A : memref<!tpu.dma_semaphore, #tpu.memory_space<semaphore_mem>>)
        %dma_wait3A_306 = arith.constant 99840 : i32
        %dma_wait3A_307 = tpu.memref_slice %arg2[%dma_wait3A_306] : memref<100000xi32, #tpu.memory_space<hbm>> -> memref<160xi32, #tpu.memory_space<hbm>>
        %dma_wait3A_308 = arith.constant 99840 : i32
        %dma_wait3A_309 = tpu.memref_slice %arg2[%dma_wait3A_308] : memref<100000xi32, #tpu.memory_space<hbm>> -> memref<160xi32, #tpu.memory_space<hbm>>
        tpu.wait_dma2 semaphore(%run_scoped3A : memref<!tpu.dma_semaphore, #tpu.memory_space<semaphore_mem>>) src(%dma_wait3A_309 : memref<160xi32, #tpu.memory_space<hbm>>) dst(%arg11 : memref<160xi32, #tpu.memory_space<vmem>>)
        tpu.yield
      }) : () -> ()
      %dma_start3A_284 = arith.constant 0 : i32
      %dma_start3A_285 = arith.constant 0 : i32
      %dma_start3A_286 = tpu.memref_slice %arg13[%dma_start3A_284, %dma_start3A_285] : memref<10x128xf32, #tpu.memory_space<vmem_shared>> -> memref<10x128xf32, #tpu.memory_space<vmem_shared>>
      tpu.enqueue_indirect_dma source(%dma_start3A_286 : memref<10x128xf32, #tpu.memory_space<vmem_shared>>) target(%arg12 : memref<160x128xf32, #tpu.memory_space<vmem>>) offsets(%arg11 : memref<160xi32, #tpu.memory_space<vmem>>) semaphore(%arg14 : memref<!tpu.dma_semaphore, #tpu.memory_space<semaphore_mem>>)
      %dma_wait3A_287 = arith.constant 0 : i32
      %dma_wait3A_288 = arith.constant 0 : i32
      %dma_wait3A_289 = tpu.memref_slice %arg13[%dma_wait3A_287, %dma_wait3A_288] : memref<10x128xf32, #tpu.memory_space<vmem_shared>> -> memref<10x128xf32, #tpu.memory_space<vmem_shared>>
      tpu.wait_indirect_dma semaphore(%arg14 : memref<!tpu.dma_semaphore, #tpu.memory_space<semaphore_mem>>) src(%dma_wait3A_289 : memref<10x128xf32, #tpu.memory_space<vmem_shared>>) dst(%arg12 : memref<160x128xf32, #tpu.memory_space<vmem>>)
      %dma_start3A_290 = arith.constant 99840 : i32
      %dma_start3A_291 = arith.constant 0 : i32
      %dma_start3A_292 = tpu.memref_slice %arg4[%dma_start3A_290, %dma_start3A_291] : memref<100000x128xf32, #tpu.memory_space<hbm>> -> memref<160x128xf32, #tpu.memory_space<hbm>>
      %dma_start3A_293 = arith.constant 99840 : i32
      %dma_start3A_294 = arith.constant 0 : i32
      %dma_start3A_295 = tpu.memref_slice %arg4[%dma_start3A_293, %dma_start3A_294] : memref<100000x128xf32, #tpu.memory_space<hbm>> -> memref<160x128xf32, #tpu.memory_space<hbm>>
      tpu.enqueue_dma source(%arg12 : memref<160x128xf32, #tpu.memory_space<vmem>>) target(%dma_start3A_295 : memref<160x128xf32, #tpu.memory_space<hbm>>) target_semaphore(%arg15 : memref<!tpu.dma_semaphore, #tpu.memory_space<semaphore_mem>>)
      %dma_wait3A_296 = arith.constant 99840 : i32
      %dma_wait3A_297 = arith.constant 0 : i32
      %dma_wait3A_298 = tpu.memref_slice %arg4[%dma_wait3A_296, %dma_wait3A_297] : memref<100000x128xf32, #tpu.memory_space<hbm>> -> memref<160x128xf32, #tpu.memory_space<hbm>>
      %dma_wait3A_299 = arith.constant 99840 : i32
      %dma_wait3A_300 = arith.constant 0 : i32
      %dma_wait3A_301 = tpu.memref_slice %arg4[%dma_wait3A_299, %dma_wait3A_300] : memref<100000x128xf32, #tpu.memory_space<hbm>> -> memref<160x128xf32, #tpu.memory_space<hbm>>
      tpu.wait_dma2 semaphore(%arg15 : memref<!tpu.dma_semaphore, #tpu.memory_space<semaphore_mem>>) src(%arg12 : memref<160x128xf32, #tpu.memory_space<vmem>>) dst(%dma_wait3A_301 : memref<160x128xf32, #tpu.memory_space<hbm>>)
    } else {
    }
    %dma_wait3A_276 = arith.constant 0 : i32
    %dma_wait3A_277 = tpu.memref_slice %arg4[%mul3A_237, %dma_wait3A_276] : memref<100000x128xf32, #tpu.memory_space<hbm>> -> memref<256x128xf32, #tpu.memory_space<hbm>>
    %dma_wait3A_278 = arith.constant 0 : i32
    %dma_wait3A_279 = tpu.memref_slice %arg4[%mul3A_237, %dma_wait3A_278] : memref<100000x128xf32, #tpu.memory_space<hbm>> -> memref<256x128xf32, #tpu.memory_space<hbm>>
    tpu.wait_dma2 semaphore(%arg15 : memref<!tpu.dma_semaphore, #tpu.memory_space<semaphore_mem>>) src(%arg9 : memref<256x128xf32, #tpu.memory_space<vmem>>) dst(%dma_wait3A_279 : memref<256x128xf32, #tpu.memory_space<hbm>>)
    %dma_wait3A_280 = arith.constant 0 : i32
    %dma_wait3A_281 = tpu.memref_slice %arg4[%mul3A_261, %dma_wait3A_280] : memref<100000x128xf32, #tpu.memory_space<hbm>> -> memref<256x128xf32, #tpu.memory_space<hbm>>
    %dma_wait3A_282 = arith.constant 0 : i32
    %dma_wait3A_283 = tpu.memref_slice %arg4[%mul3A_261, %dma_wait3A_282] : memref<100000x128xf32, #tpu.memory_space<hbm>> -> memref<256x128xf32, #tpu.memory_space<hbm>>
    tpu.wait_dma2 semaphore(%arg15 : memref<!tpu.dma_semaphore, #tpu.memory_space<semaphore_mem>>) src(%arg10 : memref<256x128xf32, #tpu.memory_space<vmem>>) dst(%dma_wait3A_283 : memref<256x128xf32, #tpu.memory_space<hbm>>)
    return
  }
}

</mosaic_0001>

<sc_bundles>
// kernel: kernel.3.cloned.1.call-start
scs
__scs_entry_jumppad:
0x0: {  	(pc) =	sbr.rel $0x88, $3  }
0x1: {  	(tag) =	ssettag $0x0;
	lr =	simm.s32 $0x1  }
0x2: {  	[smem:$0x3F9F] =	sst lr;
	_ =	strace $0xD0000000  }
0x3: {  	_ = 	snop  }
0x4: {  	_ = 	snop  }
0x5: {  	_ = 	snop  }
0x6: {  	_ = 	snop  }
0x7: {  	_ = 	snop  }
__scs_overlays_trampoline_lowered:
0x8: {  	[smem:$0x3FAE] =	sst s0  }
0x9: {  	[smem:$0x3FAF] =	sst s1  }
0xa: {  	[smem:$0x3FB0] =	sst s2  }
0xb: {  	[smem:$0x3FB1] =	sst s3  }
0xc: {  	[smem:$0x3FB2] =	sst s4  }
0xd: {  	[smem:$0x3FB3] =	sst s5  }
0xe: {  	[smem:$0x3FB4] =	sst s6  }
0xf: {  	[smem:$0x3FB5] =	sst s7  }
0x10: {  	[smem:$0x3FB6] =	sst s8  }
0x11: {  	[smem:$0x3FB7] =	sst s9;
	s0 =	simm.s32 @!p0 $0x0  }
0x12: {  	s1 =	sld [smem:$0x3F9D];
	s0 =	simm.s32 @p0 $0x1  }
0x13: {  	[smem:$0x3FB8] =	sst s0;
	s0 =	simm.s32 @!p1 $0x0  }
0x14: {  	s2 =	sld [smem:$0x3F9C];
	s0 =	simm.s32 @p1 $0x1  }
0x15: {  	[smem:$0x3FB9] =	sst s0;
	s0 =	simm.s32 @!p2 $0x0  }
0x16: {  	s3 =	sld [smem:$0x3FDB];
	s0 =	simm.s32 @p2 $0x1  }
0x17: {  	s4 =	simm.s32 $0x1BF5;
	[smem:$0x3FBB] =	sst s0  }
0x18: {  	s0 =	sld [smem:$0x3F9E];
	_ =	swait.ge [sflag:s4], $0x0  }
0x19: {  	s7 =	sld [smem:$0x3F9F]  }
0x1a: {  	s8 =	sadd.s32 $0xFFFFE003, lr  }
0x1b: {  	s9 =	sadd.s32 $0xFFFFFEF7, lr;
	s5 =	simm.s32 $0xFFFFFFFF;
	p2 =	slt.u32 s8, $0xFFFFF086  }
0x1c: {  	p1 =	slt.u32 s9, $0xF7A;
	s5 =	simm.s32 @!p2 $0x0  }
0x1d: {  	s5 =	simm.s32 @p1 $0x1;
	p0 =	seq.s32 s7, s2  }
0x1e: {  	s7 =	smul.u32 @!p0 $0xF7A, s2;
	p2 =	seq.s32 @!p0 s5, $0x0  }
0x1f: {  	s9 =	smul.u32 $0xF7A, s1;
	s8 =	simm.s32 @!p0 $0x1BF5;
	p2 =	por !p2, p0  }
0x20: {  	[sflag:s8] =	ssyncset.s32 @!p0 $0xFFFFF086;
	s6 =	sadd.s32 @!p0 s3, s7;
	s7 =	simm.s32 @!p0 $0x108  }
0x21: {  	s3 =	sadd.s32 s3, s9;
	s6 =	sadd.s32 @!p0 $0x88, s6;
	s7 =	simm.s32 @p2 $0x1082  }
0x22: {  	[simem:s7], [sflag:s8] =	dma.local @!p0 [hbm:s6], $0xF7A  }
0x23: {  	s9 =	sor.u32 $0xD0000000, s2;
	s6 =	simm.s32 $0x108;
	_ =	swait.ge @!p0 [sflag:s8], $0x0  }
0x24: {  	s3 =	sadd.s32 $0x88, s3;
	s6 =	simm.s32 @!p1 $0x1082;
	[sflag:s4] =	ssyncset.s32 $0xFFFFF086  }
0x25: {  	[simem:s6], [sflag:s4] =	dma.local [hbm:s3], $0xF7A  }
0x26: {  	[smem:$0x3F9F] =	sst s1;
	(tag) =	ssettag s2;
	_ =	strace s9  }
0x27: {  	s1 =	sld [smem:$0x3FAF]  }
0x28: {  	s2 =	sld [smem:$0x3FB0]  }
0x29: {  	s4 =	sld [smem:$0x3FB2]  }
0x2a: {  	p0 =	seq.s32 s5, $0x0;
	s5 =	sld [smem:$0x3FB3]  }
0x2b: {  	s6 =	sld [smem:$0x3FB4]  }
0x2c: {  	s7 =	sld [smem:$0x3FB5]  }
0x2d: {  	s3 =	simm.s32 $0x108;
	s8 =	sld [smem:$0x3FB6]  }
0x2e: {  	s3 =	simm.s32 @!p0 $0x1082;
	s9 =	sld [smem:$0x3FB7]  }
0x2f: {  	lr =	sadd.s32 s0, s3;
	s0 =	sld [smem:$0x3FAE]  }
0x30: {  	s3 =	sld [smem:$0x3FB1]  }
0x31: {  	[smem:$0x3FBA] =	sst s10  }
0x32: {  	s10 =	sld [smem:$0x3FB8];
	_ =	sdelay $0x3  }
0x33: {  	p0 =	seq.s32 s10, $0x1;
	s10 =	sld [smem:$0x3FBA];
	_ =	sdelay $0x3  }
0x34: {  	[smem:$0x3FBA] =	sst s10  }
0x35: {  	s10 =	sld [smem:$0x3FB9];
	_ =	sdelay $0x3  }
0x36: {  	p1 =	seq.s32 s10, $0x1;
	s10 =	sld [smem:$0x3FBA];
	_ =	sdelay $0x3  }
0x37: {  	[smem:$0x3FBA] =	sst s10  }
0x38: {  	s10 =	sld [smem:$0x3FBB]  }
0x39: {  	_ = 	snop;
	(pc) =	sbr.ind lr, $3  }
0x3a: {  	_ = 	snop  }
0x3b: {  	_ = 	snop  }
0x3c: {  	p2 =	seq.s32 s10, $0x1;
	s10 =	sld [smem:$0x3FBA]  }
0x3d: {  	_ =	shalt  }
0x3e: {  	_ =	shalt  }
0x3f: {  	_ =	shalt  }
0x40: {  	_ =	shalt  }
0x41: {  	_ =	shalt  }
0x42: {  	_ =	shalt  }
0x43: {  	_ =	shalt  }
0x44: {  	_ =	shalt  }
0x45: {  	_ =	shalt  }
0x46: {  	_ =	shalt  }
0x47: {  	_ =	shalt  }
0x48: {  	_ =	shalt  }
0x49: {  	_ =	shalt  }
0x4a: {  	_ =	shalt  }
0x4b: {  	_ =	shalt  }
0x4c: {  	_ =	shalt  }
0x4d: {  	_ =	shalt  }
0x4e: {  	_ =	shalt  }
0x4f: {  	_ =	shalt  }
0x50: {  	_ =	shalt  }
0x51: {  	_ =	shalt  }
0x52: {  	_ =	shalt  }
0x53: {  	_ =	shalt  }
0x54: {  	_ =	shalt  }
0x55: {  	_ =	shalt  }
0x56: {  	_ =	shalt  }
0x57: {  	_ =	shalt  }
0x58: {  	_ =	shalt  }
0x59: {  	_ =	shalt  }
0x5a: {  	_ =	shalt  }
0x5b: {  	_ =	shalt  }
0x5c: {  	_ =	shalt  }
0x5d: {  	_ =	shalt  }
0x5e: {  	_ =	shalt  }
0x5f: {  	_ =	shalt  }
0x60: {  	_ =	shalt  }
0x61: {  	_ =	shalt  }
0x62: {  	_ =	shalt  }
0x63: {  	_ =	shalt  }
0x64: {  	_ =	shalt  }
0x65: {  	_ =	shalt  }
0x66: {  	_ =	shalt  }
0x67: {  	_ =	shalt  }
0x68: {  	_ =	shalt  }
0x69: {  	_ =	shalt  }
0x6a: {  	_ =	shalt  }
0x6b: {  	_ =	shalt  }
0x6c: {  	_ =	shalt  }
0x6d: {  	_ =	shalt  }
0x6e: {  	_ =	shalt  }
0x6f: {  	_ =	shalt  }
0x70: {  	_ =	shalt  }
0x71: {  	_ =	shalt  }
0x72: {  	_ =	shalt  }
0x73: {  	_ =	shalt  }
0x74: {  	_ =	shalt  }
0x75: {  	_ =	shalt  }
0x76: {  	_ =	shalt  }
0x77: {  	_ =	shalt  }
0x78: {  	_ =	shalt  }
0x79: {  	_ =	shalt  }
0x7a: {  	_ =	shalt  }
0x7b: {  	_ =	shalt  }
0x7c: {  	_ =	shalt  }
0x7d: {  	_ =	shalt  }
0x7e: {  	_ =	shalt  }
0x7f: {  	_ =	shalt  }
0x80: {  	_ =	shalt  }
0x81: {  	_ =	shalt  }
0x82: {  	_ =	shalt  }
0x83: {  	_ =	shalt  }
0x84: {  	_ =	shalt  }
0x85: {  	_ =	shalt  }
0x86: {  	_ =	shalt  }
0x87: {  	_ =	shalt  }
.Lfunc_end0:
.L_simem_size_0:
called_computation_lowered:
.L_overlay_start_0:
0x88: {  	s2 =	sld [smem:$0x3FD9]  }
0x89: {  	s3 =	sld [smem:$0x3FFE];
	_ =	sdelay $0x1  }
0x8a: {  	s1 =	srdreg.scid  }
0x8b: {  	s0 =	sand.u32 $0x1, s1  }
0x8c: {  	s18 =	sshll.u32 s0, $0xA;
	s2 =	sadd.s32 s3, s2  }
0x8d: {  	s2 =	sadd.s32 s2, s18  }
0x8e: {  	[smem:$0x3FC6] =	sst s2  }
0x8f: {  	_ = 	snop  }
0x90: {  	s2 =	sld [smem:$0x3FC9]  }
0x91: {  	s19 =	sld [smem:$0x3FC8]  }
0x92: {  	s4 =	sld [smem:$0x3FD0];
	(tm) =	ssettm $0x1  }
0x93: {  	s5 =	sld [smem:$0x3FFB];
	_ =	sdelay $0x3  }
0x94: {  	_ =	strace s5  }
0x95: {  	s5 =	sld [smem:$0x3FFC];
	_ =	sdelay $0x3  }
0x96: {  	_ =	strace s5  }
0x97: {  	s5 =	sld [smem:$0x3FFD];
	_ =	sdelay $0x3  }
0x98: {  	_ =	strace s5  }
0x99: {  	_ =	strace $0x8FFFFFFF  }
0x9a: {  	s20 =	sld [smem:$0x3FDB];
	_ =	sdelay $0x1  }
0x9b: {  	s6 =	simm.s32 $_scs_section_size  }
0x9c: {  	s7 =	simm.s32 $_size__tile_overlayer_lowered;
	s8 =	simm.s32 $_tile_overlayer_lowered  }
0x9d: {  	s23 =	simm.s32 $0x1BFF;
	s22 =	sshll.u32 s8, $0x1;
	s5 =	sadd.s32 s6, s20  }
0x9e: {  	s9 =	simm.s32 $0x0;
	s21 =	sshll.u32 s7, $0x1;
	s7 =	sadd.s32 s22, s5  }
0x9f: {  	[timem:s9], [sflag:s23] =	dma.local [hbm:s7], s21  }
0xa0: {  	_ =	swait.ge [sflag:s23], s21  }
0xa1: {  	s6 =	ssub.s32 $0x0, s21;
	[sflag:s23] =	ssyncset.done $0x0  }
0xa2: {  	[sflag:s23] =	ssyncadd.s32 s6;
	_ =	sdelay $0x1  }
0xa3: {  	s24 =	simm.s32 $0x1B8B  }
0xa4: {  	_ =	swait.ge [sflag:s24], $0x1  }
0xa5: {  	[sflag:s24] =	ssyncset.done $0x0  }
0xa6: {  	s25 =	simm.s32 $0x1B8E;
	[sflag:s24] =	ssyncadd.s32 $0xFFFFFFFF  }
0xa7: {  	s26 =	simm.s32 $execute0_lowered;
	[smem:$0x3FD2] =	sst s25  }
0xa8: {  	s6 =	sshll.u32 s26, $0x1;
	_ =	strace $0x80000046;
	[dreg:$0x1] =	wrdreg $0xFFFFFFFF  }
0xa9: {  	s28 =	simm.s32 $_size_execute0_lowered;
	s5 =	sadd.s32 s5, s6;
	[dreg:$0x0] =	wrdreg $0x0  }
0xaa: {  	s6 =	sshll.u32 s28, $0x1;
	[dreg:$0x2] =	wrdreg s5  }
0xab: {  	[dreg:$0x3] =	wrdreg s6  }
0xac: {  	[dreg:$0x4] =	wrdreg $0xC0  }
0xad: {  	_ =	task [dreg:s9], $0x5FFFF  }
0xae: {  	[dreg:$0x1] =	wrdreg $0xFFFFFFFF  }
0xaf: {  	[dreg:$0x0] =	wrdreg $0x60  }
0xb0: {  	[dreg:$0x2] =	wrdreg s2  }
0xb1: {  	[dreg:$0x3] =	wrdreg s19  }
0xb2: {  	[dreg:$0x4] =	wrdreg s4  }
0xb3: {  	[dreg:$0x5] =	wrdreg $0x1D4000  }
0xb4: {  	[dreg:$0x6] =	wrdreg $0x9  }
0xb5: {  	_ =	task.clear_ibuf [dreg:s9], $0x7FFFF;
	_ =	strace $0x90000046  }
0xb6: {  	s29 =	simm.s32 $0x9;
	_ =	strace $0x80000048  }
0xb7: {  	_ =	swait.ge [sflag:s29], $0x1  }
0xb8: {  	[sflag:s29] =	ssyncadd.s32 $0xFFFFFFFF  }
0xb9: {  	_ =	strace $0x90000048  }
0xba: {  	_ =	sfence  }
0xbb: {  	s30 =	sld [smem:$0x0];
	_ =	sdelay $0x2  }
0xbc: {  	s31 =	sshll.u32 s1, $0xD;
	s1 =	sshrl.u32 s1, $0x2  }
0xbd: {  	s3 =	sand.u32 $0x4000, s31;
	s1 =	sadd.s32 s1, s30  }
0xbe: {  	s0 =	sor.u32 s3, s0;
	s1 =	sshll.u32 s1, $0x11  }
0xbf: {  	s0 =	sor.u32 s1, s0  }
0xc0: {  	s0 =	sadd.s32 $0x8F2B, s0  }
0xc1: {  	[sflag:s0] =	ssyncadd.remote.s32 $0x1  }
0xc2: {  	_ =	sfence.sel $0xFFFF  }
0xc3: {  	[dreg:$0x0] =	wrdreg $0xFFFFFFFF;
	(pc) =	sbr.abs _section_cstart, $3  }
0xc4: {  	[dreg:$0x1] =	wrdreg $0xFFFFFFFF  }
0xc5: {  	_ =	task.clear_ibuf [dreg:s9], $0x2FFFF;
	_ =	strace $0x9FFFFFFF  }
0xc6: {  	(tm) =	ssettm $0x7FFFFFFF  }
0xc7: {  	_ =	shalt  }
tec
execute0_lowered:
.L_overlay_start_1:
0x0: {  	(tag) =	ssettag $0x1  }
0x1: {  	s3 =	rddreg [dreg:$0x0]  }
0x2: {  	s0 =	rddreg [dreg:$0x1]  }
0x3: {  	s7 =	rddreg [dreg:$0x2]  }
0x4: {  	s1 =	srdreg.scid;
	s17 =	rddreg [dreg:$0x4]  }
0x5: {  	s4 =	stileid.u32;
	s2 =	simm.s32 $0x0;
	[dreg:$0x5] =	wrdreg s0  }
0x6: {  	p3 =	por $0x0, $0x0;
	s6 =	sand.u32 $0x1, s1;
	s1 =	rddreg [dreg:$0x3]  }
0x7: {  	s28 =	sshll.u32 s4, $0x1;
	[smem:$0x7FF] =	sst s2;
	p0 =	sne.s32 s4, $0x0  }
0x8: {  	p2 =	sgt.u32 s4, $0x2;
	s4 =	simm.s32 $0x2;
	s0 =	sor.u32 s6, s28  }
0x9: {  	_ =	strace $0x80000047;
	s6 =	ssub.s32 $0x2, s6;
	s5 =	sshll.u32 s0, $0x8  }
0xa: {  	s15 =	sshrl.u32 s6, $0x1;
	p1 =	sne.s32 s0, $0x1F;
	s31 =	rddreg [dreg:$0x5]  }
0xb: {  	s8 =	sor.u32 $0x2000, s5;
	s10 =	sor.u32 $0x4000, s5;
	s11 =	sor.u32 $0x6000, s5  }
0xc: {  	s14 =	sor.u32 $0x8000, s5;
	s22 =	sor.u32 $0xC000, s5;
	s25 =	sor.u32 $0xE000, s5  }
0xd: {  	s9 =	sshrl.u32 s8, $0x3;
	s29 =	sshrl.u32 s10, $0x3;
	s8 =	sshll.u32 s8, $0x4  }
0xe: {  	s30 =	sshrl.u32 s11, $0x3;
	s12 =	sshll.u32 s10, $0x4;
	s16 =	sshrl.u32 s14, $0x3  }
0xf: {  	s11 =	sshll.u32 s11, $0x4;
	s10 =	ssub.s32 s6, s15;
	s23 =	sshrl.u32 s22, $0x3  }
0x10: {  	s28 =	sshrl.u32 s25, $0x3;
	s9 =	sadd.s32 s3, s9;
	s8 =	sadd.s32 s7, s8  }
0x11: {  	s13 =	sadd.s32 s7, s12;
	s12 =	sor.u32 $0xA000, s5;
	[dreg:$0x6] =	wrdreg s9  }
0x12: {  	s18 =	sadd.s32 s7, s11;
	s6 =	sadd.s32 s3, s23;
	[dreg:$0x8] =	wrdreg s8  }
0x13: {  	s11 =	sshll.u32 s25, $0x4;
	s9 =	sadd.s32 s3, s29;
	[dreg:$0xa] =	wrdreg s13  }
0x14: {  	s8 =	sadd.s32 s3, s16;
	s19 =	sshrl.u32 s12, $0x3;
	[dreg:$0xc] =	wrdreg s18  }
0x15: {  	s24 =	sshll.u32 s12, $0x4;
	[dreg:$0xf] =	wrdreg s6;
	s29 =	sadd.s32 s3, s28  }
0x16: {  	s12 =	sshll.u32 s0, $0x5;
	s16 =	sadd.s32 s7, s11;
	[dreg:$0x7] =	wrdreg s9  }
0x17: {  	s28 =	sshll.u32 s0, $0xC;
	s11 =	simm.s32 $0x3;
	[dreg:$0xb] =	wrdreg s8  }
0x18: {  	s9 =	sadd.s32 s3, s30;
	s20 =	sadd.s32 s3, s19;
	[dreg:$0x11] =	wrdreg s29  }
0x19: {  	s26 =	sadd.s32 s7, s24;
	s30 =	sshll.u32 s22, $0x4;
	[dreg:$0x14] =	wrdreg s16  }
0x1a: {  	s15 =	sadd.s32 s3, s12;
	s16 =	smax.u32 s10, $0x1;
	[dreg:$0x9] =	wrdreg s9  }
0x1b: {  	s10 =	simm.s32 $0x100;
	s12 =	simm.s32 $0x200;
	[dreg:$0xd] =	wrdreg s20  }
0x1c: {  	s9 =	sshll.u32 s14, $0x4;
	[dreg:$0x10] =	wrdreg s26;
	s8 =	sadd.s32 s7, s30  }
0x1d: {  	s14 =	sor.u32 $0x12000, s5;
	s30 =	sadd.s32 $0x3000, s15;
	[dreg:$0x12] =	wrdreg s8  }
0x1e: {  	s21 =	sadd.s32 s7, s9;
	s9 =	sor.u32 $0x10000, s5;
	[dreg:$0x1b] =	wrdreg s30  }
0x1f: {  	s18 =	sshrl.u32 s14, $0x3;
	s23 =	sshll.u32 s14, $0x4;
	[dreg:$0xe] =	wrdreg s21  }
0x20: {  	s13 =	sshrl.u32 s9, $0x3;
	s19 =	sadd.s32 s3, s18;
	s8 =	sshll.u32 s9, $0x4  }
0x21: {  	s21 =	sor.u32 $0x14000, s5;
	s5 =	sor.u32 $0x16000, s5;
	s24 =	sadd.s32 s7, s23  }
0x22: {  	s9 =	simm.s32 $0x8300;
	s23 =	sadd.s32 $0xFFFFFFFF, s16;
	s16 =	sshrl.u32 @!p0 s1, $0x3  }
0x23: {  	s6 =	sadd.s32 s3, s13;
	[dreg:$0x15] =	wrdreg s19;
	s20 =	sadd.s32 s7, s8  }
0x24: {  	s22 =	sshrl.u32 s21, $0x3;
	s25 =	sshrl.u32 s5, $0x3;
	[dreg:$0x18] =	wrdreg s24  }
0x25: {  	s8 =	sshll.u32 s21, $0x4;
	s5 =	sshll.u32 s5, $0x4;
	[dreg:$0x13] =	wrdreg s6  }
0x26: {  	p4 =	sne.s32 s23, $0x0;
	[dreg:$0x16] =	wrdreg s20;
	s6 =	sadd.s32 s3, s22  }
.Ltmp0:
0x27: {  	s26 =	sadd.s32 s3, s25;
	[dreg:$0x17] =	wrdreg s6;
	(pc) =	sbr.rel @!p4 .LBB2_1-.Ltmp0, $4  }
0x28: {  	s19 =	sadd.s32 s7, s28;
	s29 =	sadd.s32 s7, s8;
	[dreg:$0x19] =	wrdreg s26  }
0x29: {  	s13 =	simm.s32 $0x300;
	s5 =	sadd.s32 s7, s5;
	[dreg:$0x1a] =	wrdreg s29  }
0x2a: {  	s14 =	sadd.s32 $0x180000, s19;
	s8 =	simm.s32 $0x10300;
	[dreg:$0x1c] =	wrdreg s5  }
0x2b: {  	s6 =	sadd.s32 $0x30C0, s3;
	s3 =	sadd.s32 $0x186000, s7;
	s7 =	simm.s32 $0x1  }
0x2c: {  	s0 =	simm.s32 @!p0 $0x1C03;
	s18 =	simm.s32 @!p0 $0x3  }
0x2d: {  	[spmem:s16], [sflag:s0] =	dma.local @!p0 [hbm:s31], $0xA0  }
0x2e: {  	_ =	swait.ge @!p0 [sflag:s18], $0xA0  }
0x2f: {  	[sflag:s18] =	ssyncset.done @!p0 $0x0  }
0x30: {  	[sflag:s18] =	ssyncadd.s32 @!p0 $0xFFFFFF60  }
0x31: {  	[tilespmem:s2], [sflag:$0x3] =	stream.linear.gather [hbm4b:s15+s2], $0x100, $0x38;
	[tilespmem:$0x1D450] =	vst v63  }
0x32: {  	_ =	swait.ge [sflag:s11], $0x100  }
0x33: {  	[sflag:s11] =	ssyncset.done $0x0  }
0x34: {  	s20 =	rddreg [dreg:$0x6];
	[sflag:s11] =	ssyncadd.s32 $0xFFFFFF00  }
0x35: {  	[tilespmem:s10], [sflag:$0x3] =	stream.linear.gather [hbm4b:s20+s2], $0x100, $0x38;
	[tilespmem:$0x1D450] =	vst v63  }
0x36: {  	_ =	swait.ge [sflag:s11], $0x100  }
0x37: {  	[sflag:s11] =	ssyncset.done $0x0  }
0x38: {  	[sflag:s11] =	ssyncadd.s32 $0xFFFFFF00  }
0x39: {  	[bflag:$0x0] =	sbarrier.arrive $0xFFFF  }
0x3a: {  	[tilespmem:s13], [sflag:$0x1] =	stream.indirect.gather [spmem:s1], $0x80, s2, s10, $0xb8;
	[tilespmem:$0x1D450] =	vst v63  }
0x3b: {  	_ = 	snop  }
0x3c: {  	[tilespmem:s9], [sflag:$0x1] =	stream.indirect.gather [spmem:s1], $0x80, s10, s10, $0xb8;
	[tilespmem:$0x1D450] =	vst v63  }
0x3d: {  	_ =	swait.ge [sflag:s7], $0x8000  }
0x3e: {  	[sflag:s7] =	ssyncset.done $0x0  }
0x3f: {  	[sflag:s7] =	ssyncadd.s32 $0xFFFF8000  }
0x40: {  	[hbm4b:s19+s2] =	stream.linear.scatter [tilespmem:s13], [sflag:$0x2], $0x8000, $0x38;
	[tilespmem:$0x1D450] =	vst v63  }
0x41: {  	s21 =	rddreg [dreg:$0x7]  }
0x42: {  	[tilespmem:s12], [sflag:$0x3] =	stream.linear.gather [hbm4b:s21+s2], $0x100, $0x38;
	[tilespmem:$0x1D450] =	vst v63  }
0x43: {  	_ =	swait.ge [sflag:s11], $0x100  }
0x44: {  	[sflag:s11] =	ssyncset.done $0x0  }
0x45: {  	[sflag:s11] =	ssyncadd.s32 $0xFFFFFF00  }
0x46: {  	[tilespmem:s8], [sflag:$0x1] =	stream.indirect.gather [spmem:s1], $0x80, s12, s10, $0xb8;
	[tilespmem:$0x1D450] =	vst v63  }
0x47: {  	_ =	swait.ge [sflag:s7], $0x8000  }
0x48: {  	[sflag:s7] =	ssyncset.done $0x0  }
0x49: {  	s22 =	rddreg [dreg:$0x8];
	[sflag:s7] =	ssyncadd.s32 $0xFFFF8000  }
0x4a: {  	[hbm4b:s22+s2] =	stream.linear.scatter [tilespmem:s9], [sflag:$0x2], $0x8000, $0x38;
	[tilespmem:$0x1D450] =	vst v63  }
0x4b: {  	s17 =	rddreg [dreg:$0x9]  }
0x4c: {  	[tilespmem:s2], [sflag:$0x3] =	stream.linear.gather [hbm4b:s17+s2], $0x100, $0x38;
	[tilespmem:$0x1D450] =	vst v63  }
0x4d: {  	_ =	swait.ge [sflag:s11], $0x100  }
0x4e: {  	[sflag:s11] =	ssyncset.done $0x0  }
0x4f: {  	[sflag:s11] =	ssyncadd.s32 $0xFFFFFF00  }
0x50: {  	_ =	swait.ge [sflag:s4], $0x8000  }
0x51: {  	[sflag:s4] =	ssyncset.done $0x0  }
0x52: {  	[sflag:s4] =	ssyncadd.s32 $0xFFFF8000  }
0x53: {  	[tilespmem:s13], [sflag:$0x1] =	stream.indirect.gather [spmem:s1], $0x80, s2, s10, $0xb8;
	[tilespmem:$0x1D450] =	vst v63  }
0x54: {  	_ =	swait.ge [sflag:s7], $0x8000  }
0x55: {  	[sflag:s7] =	ssyncset.done $0x0  }
0x56: {  	s24 =	rddreg [dreg:$0xa];
	[sflag:s7] =	ssyncadd.s32 $0xFFFF8000  }
0x57: {  	[hbm4b:s24+s2] =	stream.linear.scatter [tilespmem:s8], [sflag:$0x2], $0x8000, $0x38;
	[tilespmem:$0x1D450] =	vst v63  }
0x58: {  	s25 =	rddreg [dreg:$0xb]  }
0x59: {  	[tilespmem:s10], [sflag:$0x3] =	stream.linear.gather [hbm4b:s25+s2], $0x100, $0x38;
	[tilespmem:$0x1D450] =	vst v63  }
0x5a: {  	_ =	swait.ge [sflag:s11], $0x100  }
0x5b: {  	[sflag:s11] =	ssyncset.done $0x0  }
0x5c: {  	[sflag:s11] =	ssyncadd.s32 $0xFFFFFF00  }
0x5d: {  	_ =	swait.ge [sflag:s4], $0x8000  }
0x5e: {  	[sflag:s4] =	ssyncset.done $0x0  }
0x5f: {  	[sflag:s4] =	ssyncadd.s32 $0xFFFF8000  }
0x60: {  	[tilespmem:s9], [sflag:$0x1] =	stream.indirect.gather [spmem:s1], $0x80, s10, s10, $0xb8;
	[tilespmem:$0x1D450] =	vst v63  }
0x61: {  	_ =	swait.ge [sflag:s7], $0x8000  }
0x62: {  	[sflag:s7] =	ssyncset.done $0x0  }
0x63: {  	s26 =	rddreg [dreg:$0xc];
	[sflag:s7] =	ssyncadd.s32 $0xFFFF8000  }
0x64: {  	[hbm4b:s26+s2] =	stream.linear.scatter [tilespmem:s13], [sflag:$0x2], $0x8000, $0x38;
	[tilespmem:$0x1D450] =	vst v63  }
0x65: {  	s5 =	rddreg [dreg:$0xd]  }
0x66: {  	[tilespmem:s12], [sflag:$0x3] =	stream.linear.gather [hbm4b:s5+s2], $0x100, $0x38;
	[tilespmem:$0x1D450] =	vst v63  }
0x67: {  	_ =	swait.ge [sflag:s11], $0x100  }
0x68: {  	[sflag:s11] =	ssyncset.done $0x0  }
0x69: {  	[sflag:s11] =	ssyncadd.s32 $0xFFFFFF00  }
0x6a: {  	_ =	swait.ge [sflag:s4], $0x8000  }
0x6b: {  	[sflag:s4] =	ssyncset.done $0x0  }
0x6c: {  	[sflag:s4] =	ssyncadd.s32 $0xFFFF8000  }
0x6d: {  	[tilespmem:s8], [sflag:$0x1] =	stream.indirect.gather [spmem:s1], $0x80, s12, s10, $0xb8;
	[tilespmem:$0x1D450] =	vst v63  }
0x6e: {  	_ =	swait.ge [sflag:s7], $0x8000  }
0x6f: {  	[sflag:s7] =	ssyncset.done $0x0  }
0x70: {  	s17 =	rddreg [dreg:$0xe];
	[sflag:s7] =	ssyncadd.s32 $0xFFFF8000  }
0x71: {  	[hbm4b:s17+s2] =	stream.linear.scatter [tilespmem:s9], [sflag:$0x2], $0x8000, $0x38;
	[tilespmem:$0x1D450] =	vst v63  }
0x72: {  	s20 =	rddreg [dreg:$0xf]  }
0x73: {  	[tilespmem:s2], [sflag:$0x3] =	stream.linear.gather [hbm4b:s20+s2], $0x100, $0x38;
	[tilespmem:$0x1D450] =	vst v63  }
0x74: {  	_ =	swait.ge [sflag:s11], $0x100  }
0x75: {  	[sflag:s11] =	ssyncset.done $0x0  }
0x76: {  	[sflag:s11] =	ssyncadd.s32 $0xFFFFFF00  }
0x77: {  	_ =	swait.ge [sflag:s4], $0x8000  }
0x78: {  	[sflag:s4] =	ssyncset.done $0x0  }
0x79: {  	[sflag:s4] =	ssyncadd.s32 $0xFFFF8000  }
0x7a: {  	[tilespmem:s13], [sflag:$0x1] =	stream.indirect.gather [spmem:s1], $0x80, s2, s10, $0xb8;
	[tilespmem:$0x1D450] =	vst v63  }
0x7b: {  	_ =	swait.ge [sflag:s7], $0x8000  }
0x7c: {  	[sflag:s7] =	ssyncset.done $0x0  }
0x7d: {  	s21 =	rddreg [dreg:$0x10];
	[sflag:s7] =	ssyncadd.s32 $0xFFFF8000  }
0x7e: {  	[hbm4b:s21+s2] =	stream.linear.scatter [tilespmem:s8], [sflag:$0x2], $0x8000, $0x38;
	[tilespmem:$0x1D450] =	vst v63  }
0x7f: {  	s22 =	rddreg [dreg:$0x11]  }
0x80: {  	[tilespmem:s10], [sflag:$0x3] =	stream.linear.gather [hbm4b:s22+s2], $0x100, $0x38;
	[tilespmem:$0x1D450] =	vst v63  }
0x81: {  	_ =	swait.ge [sflag:s11], $0x100  }
0x82: {  	[sflag:s11] =	ssyncset.done $0x0  }
0x83: {  	[sflag:s11] =	ssyncadd.s32 $0xFFFFFF00  }
0x84: {  	_ =	swait.ge [sflag:s4], $0x8000  }
0x85: {  	[sflag:s4] =	ssyncset.done $0x0  }
0x86: {  	[sflag:s4] =	ssyncadd.s32 $0xFFFF8000  }
0x87: {  	[tilespmem:s9], [sflag:$0x1] =	stream.indirect.gather [spmem:s1], $0x80, s10, s10, $0xb8;
	[tilespmem:$0x1D450] =	vst v63  }
0x88: {  	_ =	swait.ge [sflag:s7], $0x8000  }
0x89: {  	[sflag:s7] =	ssyncset.done $0x0  }
0x8a: {  	s24 =	rddreg [dreg:$0x12];
	[sflag:s7] =	ssyncadd.s32 $0xFFFF8000  }
0x8b: {  	[hbm4b:s24+s2] =	stream.linear.scatter [tilespmem:s13], [sflag:$0x2], $0x8000, $0x38;
	[tilespmem:$0x1D450] =	vst v63  }
0x8c: {  	s25 =	rddreg [dreg:$0x13]  }
0x8d: {  	[tilespmem:s12], [sflag:$0x3] =	stream.linear.gather [hbm4b:s25+s2], $0x100, $0x38;
	[tilespmem:$0x1D450] =	vst v63  }
0x8e: {  	_ =	swait.ge [sflag:s11], $0x100  }
0x8f: {  	[sflag:s11] =	ssyncset.done $0x0  }
0x90: {  	[sflag:s11] =	ssyncadd.s32 $0xFFFFFF00  }
0x91: {  	_ =	swait.ge [sflag:s4], $0x8000  }
0x92: {  	[sflag:s4] =	ssyncset.done $0x0  }
0x93: {  	[sflag:s4] =	ssyncadd.s32 $0xFFFF8000  }
0x94: {  	[tilespmem:s8], [sflag:$0x1] =	stream.indirect.gather [spmem:s1], $0x80, s12, s10, $0xb8;
	[tilespmem:$0x1D450] =	vst v63  }
0x95: {  	_ =	swait.ge [sflag:s7], $0x8000  }
0x96: {  	[sflag:s7] =	ssyncset.done $0x0  }
0x97: {  	s26 =	rddreg [dreg:$0x14];
	[sflag:s7] =	ssyncadd.s32 $0xFFFF8000  }
0x98: {  	[hbm4b:s26+s2] =	stream.linear.scatter [tilespmem:s9], [sflag:$0x2], $0x8000, $0x38;
	[tilespmem:$0x1D450] =	vst v63  }
0x99: {  	s5 =	rddreg [dreg:$0x15]  }
0x9a: {  	[tilespmem:s2], [sflag:$0x3] =	stream.linear.gather [hbm4b:s5+s2], $0x100, $0x38;
	[tilespmem:$0x1D450] =	vst v63  }
0x9b: {  	_ =	swait.ge [sflag:s11], $0x100  }
0x9c: {  	[sflag:s11] =	ssyncset.done $0x0  }
0x9d: {  	[sflag:s11] =	ssyncadd.s32 $0xFFFFFF00  }
0x9e: {  	_ =	swait.ge [sflag:s4], $0x8000  }
0x9f: {  	[sflag:s4] =	ssyncset.done $0x0  }
0xa0: {  	[sflag:s4] =	ssyncadd.s32 $0xFFFF8000  }
0xa1: {  	[tilespmem:s13], [sflag:$0x1] =	stream.indirect.gather [spmem:s1], $0x80, s2, s10, $0xb8;
	[tilespmem:$0x1D450] =	vst v63  }
0xa2: {  	_ =	swait.ge [sflag:s7], $0x8000  }
0xa3: {  	[sflag:s7] =	ssyncset.done $0x0  }
0xa4: {  	s20 =	rddreg [dreg:$0x16];
	[sflag:s7] =	ssyncadd.s32 $0xFFFF8000  }
0xa5: {  	[hbm4b:s20+s2] =	stream.linear.scatter [tilespmem:s8], [sflag:$0x2], $0x8000, $0x38;
	[tilespmem:$0x1D450] =	vst v63  }
0xa6: {  	s21 =	rddreg [dreg:$0x17]  }
0xa7: {  	[tilespmem:s10], [sflag:$0x3] =	stream.linear.gather [hbm4b:s21+s2], $0x100, $0x38;
	[tilespmem:$0x1D450] =	vst v63  }
0xa8: {  	_ =	swait.ge [sflag:s11], $0x100  }
0xa9: {  	[sflag:s11] =	ssyncset.done $0x0  }
0xaa: {  	[sflag:s11] =	ssyncadd.s32 $0xFFFFFF00  }
0xab: {  	_ =	swait.ge [sflag:s4], $0x8000  }
0xac: {  	[sflag:s4] =	ssyncset.done $0x0  }
0xad: {  	[sflag:s4] =	ssyncadd.s32 $0xFFFF8000  }
0xae: {  	[tilespmem:s9], [sflag:$0x1] =	stream.indirect.gather [spmem:s1], $0x80, s10, s10, $0xb8;
	[tilespmem:$0x1D450] =	vst v63  }
0xaf: {  	_ =	swait.ge [sflag:s7], $0x8000  }
0xb0: {  	[sflag:s7] =	ssyncset.done $0x0  }
0xb1: {  	s22 =	rddreg [dreg:$0x18];
	[sflag:s7] =	ssyncadd.s32 $0xFFFF8000  }
0xb2: {  	[hbm4b:s22+s2] =	stream.linear.scatter [tilespmem:s13], [sflag:$0x2], $0x8000, $0x38;
	[tilespmem:$0x1D450] =	vst v63  }
0xb3: {  	s24 =	rddreg [dreg:$0x19]  }
0xb4: {  	[tilespmem:s12], [sflag:$0x3] =	stream.linear.gather [hbm4b:s24+s2], $0x100, $0x38;
	[tilespmem:$0x1D450] =	vst v63  }
0xb5: {  	_ =	swait.ge [sflag:s11], $0x100  }
0xb6: {  	[sflag:s11] =	ssyncset.done $0x0  }
0xb7: {  	[sflag:s11] =	ssyncadd.s32 $0xFFFFFF00  }
0xb8: {  	_ =	swait.ge [sflag:s4], $0x8000  }
0xb9: {  	[sflag:s4] =	ssyncset.done $0x0  }
0xba: {  	[sflag:s4] =	ssyncadd.s32 $0xFFFF8000  }
0xbb: {  	[tilespmem:s8], [sflag:$0x1] =	stream.indirect.gather [spmem:s1], $0x80, s12, s10, $0xb8;
	[tilespmem:$0x1D450] =	vst v63  }
0xbc: {  	_ =	swait.ge [sflag:s7], $0x8000;
	[dreg:$0x1d] =	wrdreg s16  }
0xbd: {  	[dreg:$0x1e] =	wrdreg s19;
	[sflag:s7] =	ssyncset.done $0x0  }
0xbe: {  	s19 =	simm.s32 @p2 $0x2;
	s25 =	rddreg [dreg:$0x1a];
	[sflag:s7] =	ssyncadd.s32 $0xFFFF8000  }
0xbf: {  	[hbm4b:s25+s2] =	stream.linear.scatter [tilespmem:s9], [sflag:$0x2], $0x8000, $0x38;
	[tilespmem:$0x1D450] =	vst v63  }
0xc0: {  	_ =	swait.ge @p2 [sflag:s19], $0x8000  }
0xc1: {  	s20 =	simm.s32 @!p2 $0x0;
	[sflag:s19] =	ssyncset.done @p2 $0x0  }
0xc2: {  	s21 =	simm.s32 @!p2 $0x3;
	s0 =	rddreg [dreg:$0x1b];
	[sflag:s19] =	ssyncadd.s32 @p2 $0xFFFF8000  }
0xc3: {  	[tilespmem:s20], [sflag:$0x3] =	stream.linear.gather @!p2 [hbm4b:s0+s20], $0x100, $0x38;
	[tilespmem:$0x1D450] =	vst v63  }
0xc4: {  	_ =	swait.ge @!p2 [sflag:s21], $0x100  }
0xc5: {  	[sflag:s21] =	ssyncset.done @!p2 $0x0  }
0xc6: {  	s22 =	simm.s32 @!p2 $0x2;
	[sflag:s21] =	ssyncadd.s32 @!p2 $0xFFFFFF00  }
0xc7: {  	_ =	swait.ge @!p2 [sflag:s22], $0x8000  }
0xc8: {  	[sflag:s22] =	ssyncset.done @!p2 $0x0  }
0xc9: {  	s24 =	simm.s32 @!p2 $0x300;
	s0 =	simm.s32 @!p2 $0x100;
	[sflag:s22] =	ssyncadd.s32 @!p2 $0xFFFF8000  }
0xca: {  	[tilespmem:s24], [sflag:$0x1] =	stream.indirect.gather @!p2 [spmem:s1], $0x80, s20, s0, $0xb8;
	[tilespmem:$0x1D450] =	vst v63  }
0xcb: {  	_ =	swait.ge [sflag:s7], $0x8000  }
0xcc: {  	[sflag:s7] =	ssyncset.done $0x0  }
0xcd: {  	s25 =	simm.s32 @!p2 $0x1;
	s26 =	rddreg [dreg:$0x1c];
	[sflag:s7] =	ssyncadd.s32 $0xFFFF8000  }
0xce: {  	[hbm4b:s26+s2] =	stream.linear.scatter [tilespmem:s8], [sflag:$0x2], $0x8000, $0x38;
	[tilespmem:$0x1D450] =	vst v63  }
0xcf: {  	_ =	swait.ge @!p2 [sflag:s25], $0x8000  }
0xd0: {  	[sflag:s25] =	ssyncset.done @!p2 $0x0  }
0xd1: {  	[sflag:s25] =	ssyncadd.s32 @!p2 $0xFFFF8000  }
0xd2: {  	[hbm4b:s14+s20] =	stream.linear.scatter @!p2 [tilespmem:s24], [sflag:$0x2], $0x8000, $0x38;
	[tilespmem:$0x1D450] =	vst v63  }
0xd3: {  	_ =	swait.ge @!p2 [sflag:s22], $0x8000  }
0xd4: {  	s28 =	simm.s32 @!p1 $0x0;
	[sflag:s22] =	ssyncset.done @!p2 $0x0  }
0xd5: {  	s29 =	simm.s32 @!p1 $0x18300;
	s26 =	simm.s32 @!p1 $0x3;
	[sflag:s22] =	ssyncadd.s32 @!p2 $0xFFFF8000  }
0xd6: {  	[tilespmem:s29], [sflag:$0x3] =	stream.linear.gather @!p1 [hbm4b:s6+s28], $0xA0, $0x38;
	[tilespmem:$0x1D450] =	vst v63  }
0xd7: {  	_ =	swait.ge @!p1 [sflag:s26], $0xA0  }
0xd8: {  	s30 =	simm.s32 @!p1 $0x1;
	[sflag:s26] =	ssyncset.done @!p1 $0x0  }
0xd9: {  	s5 =	simm.s32 @!p1 $0xA0;
	s0 =	simm.s32 @!p1 $0x18400;
	[sflag:s26] =	ssyncadd.s32 @!p1 $0xFFFFFF60  }
0xda: {  	[tilespmem:s0], [sflag:$0x1] =	stream.indirect.gather @!p1 [spmem:s1], $0x80, s29, s5, $0xb8;
	[tilespmem:$0x1D450] =	vst v63  }
0xdb: {  	_ =	swait.ge @!p1 [sflag:s30], $0x5000  }
0xdc: {  	[sflag:s30] =	ssyncset.done @!p1 $0x0  }
0xdd: {  	s17 =	simm.s32 @!p1 $0x2;
	[sflag:s30] =	ssyncadd.s32 @!p1 $0xFFFFB000  }
0xde: {  	[hbm4b:s3+s28] =	stream.linear.scatter @!p1 [tilespmem:s0], [sflag:$0x2], $0x5000, $0x38;
	[tilespmem:$0x1D450] =	vst v63  }
0xdf: {  	_ =	swait.ge @!p1 [sflag:s17], $0x5000  }
0xe0: {  	s23 =	sadd.s32 $0xFFFFFFFF, s23;
	[sflag:s17] =	ssyncset.done @!p1 $0x0  }
0xe1: {  	p4 =	sne.s32 s23, $0x0;
	[sflag:s17] =	ssyncadd.s32 @!p1 $0xFFFFB000  }
.Ltmp1:
0xe2: {  	_ =	swait.ge [sflag:s4], $0x8000;
	(pc) =	sbr.rel @!p4 .LBB2_3-.Ltmp1, $4  }
0xe3: {  	[sflag:s4] =	ssyncset.done $0x0  }
0xe4: {  	[sflag:s4] =	ssyncadd.s32 $0xFFFF8000  }
0xe5: {  	_ =	swait.ge [sflag:s4], $0x8000  }
0xe6: {  	p3 =	por $0x1, $0x1;
	s31 =	rddreg [dreg:$0x5];
	[sflag:s4] =	ssyncset.done $0x0  }
.LBB2_4:
0xe7: {  	[sflag:s4] =	ssyncadd.s32 $0xFFFF8000;
	s5 =	simm.s32 @!p0 $0x1C03;
	s16 =	rddreg [dreg:$0x1d]  }
0xe8: {  	[spmem:s16], [sflag:s5] =	dma.local @!p0 [hbm:s31], $0xA0  }
0xe9: {  	_ =	swait.ge @!p0 [sflag:s18], $0xA0  }
0xea: {  	[sflag:s18] =	ssyncset.done @!p0 $0x0  }
0xeb: {  	[sflag:s18] =	ssyncadd.s32 @!p0 $0xFFFFFF60  }
0xec: {  	[tilespmem:s2], [sflag:$0x3] =	stream.linear.gather [hbm4b:s15+s2], $0x100, $0x38;
	[tilespmem:$0x1D450] =	vst v63  }
0xed: {  	_ =	swait.ge [sflag:s11], $0x100  }
0xee: {  	[sflag:s11] =	ssyncset.done $0x0  }
0xef: {  	s31 =	rddreg [dreg:$0x6];
	[sflag:s11] =	ssyncadd.s32 $0xFFFFFF00  }
0xf0: {  	[tilespmem:s10], [sflag:$0x3] =	stream.linear.gather [hbm4b:s31+s2], $0x100, $0x38;
	[tilespmem:$0x1D450] =	vst v63  }
0xf1: {  	_ =	swait.ge [sflag:s11], $0x100  }
0xf2: {  	[sflag:s11] =	ssyncset.done $0x0  }
0xf3: {  	[sflag:s11] =	ssyncadd.s32 $0xFFFFFF00  }
0xf4: {  	[bflag:$0x0] =	sbarrier.arrive $0xFFFF  }
0xf5: {  	[tilespmem:s13], [sflag:$0x1] =	stream.indirect.gather [spmem:s1], $0x80, s2, s10, $0xb8;
	[tilespmem:$0x1D450] =	vst v63  }
0xf6: {  	_ = 	snop  }
0xf7: {  	[tilespmem:s9], [sflag:$0x1] =	stream.indirect.gather [spmem:s1], $0x80, s10, s10, $0xb8;
	[tilespmem:$0x1D450] =	vst v63  }
0xf8: {  	_ =	swait.ge [sflag:s7], $0x8000  }
0xf9: {  	[sflag:s7] =	ssyncset.done $0x0  }
0xfa: {  	s16 =	rddreg [dreg:$0x1e];
	[sflag:s7] =	ssyncadd.s32 $0xFFFF8000  }
0xfb: {  	[hbm4b:s16+s2] =	stream.linear.scatter [tilespmem:s13], [sflag:$0x2], $0x8000, $0x38;
	[tilespmem:$0x1D450] =	vst v63  }
0xfc: {  	s31 =	rddreg [dreg:$0x7]  }
0xfd: {  	[tilespmem:s12], [sflag:$0x3] =	stream.linear.gather [hbm4b:s31+s2], $0x100, $0x38;
	[tilespmem:$0x1D450] =	vst v63  }
0xfe: {  	_ =	swait.ge [sflag:s11], $0x100  }
0xff: {  	[sflag:s11] =	ssyncset.done $0x0  }
0x100: {  	[sflag:s11] =	ssyncadd.s32 $0xFFFFFF00  }
0x101: {  	[tilespmem:s8], [sflag:$0x1] =	stream.indirect.gather [spmem:s1], $0x80, s12, s10, $0xb8;
	[tilespmem:$0x1D450] =	vst v63  }
0x102: {  	_ =	swait.ge [sflag:s7], $0x8000  }
0x103: {  	[sflag:s7] =	ssyncset.done $0x0  }
0x104: {  	s31 =	rddreg [dreg:$0x8];
	[sflag:s7] =	ssyncadd.s32 $0xFFFF8000  }
0x105: {  	[hbm4b:s31+s2] =	stream.linear.scatter [tilespmem:s9], [sflag:$0x2], $0x8000, $0x38;
	[tilespmem:$0x1D450] =	vst v63  }
0x106: {  	s16 =	rddreg [dreg:$0x9]  }
0x107: {  	[tilespmem:s2], [sflag:$0x3] =	stream.linear.gather [hbm4b:s16+s2], $0x100, $0x38;
	[tilespmem:$0x1D450] =	vst v63  }
0x108: {  	_ =	swait.ge [sflag:s11], $0x100  }
0x109: {  	[sflag:s11] =	ssyncset.done $0x0  }
0x10a: {  	[sflag:s11] =	ssyncadd.s32 $0xFFFFFF00  }
0x10b: {  	_ =	swait.ge [sflag:s4], $0x8000  }
0x10c: {  	[sflag:s4] =	ssyncset.done $0x0  }
0x10d: {  	[sflag:s4] =	ssyncadd.s32 $0xFFFF8000  }
0x10e: {  	[tilespmem:s13], [sflag:$0x1] =	stream.indirect.gather [spmem:s1], $0x80, s2, s10, $0xb8;
	[tilespmem:$0x1D450] =	vst v63  }
0x10f: {  	_ =	swait.ge [sflag:s7], $0x8000  }
0x110: {  	[sflag:s7] =	ssyncset.done $0x0  }
0x111: {  	s16 =	rddreg [dreg:$0xa];
	[sflag:s7] =	ssyncadd.s32 $0xFFFF8000  }
0x112: {  	[hbm4b:s16+s2] =	stream.linear.scatter [tilespmem:s8], [sflag:$0x2], $0x8000, $0x38;
	[tilespmem:$0x1D450] =	vst v63  }
0x113: {  	s31 =	rddreg [dreg:$0xb]  }
0x114: {  	[tilespmem:s10], [sflag:$0x3] =	stream.linear.gather [hbm4b:s31+s2], $0x100, $0x38;
	[tilespmem:$0x1D450] =	vst v63  }
0x115: {  	_ =	swait.ge [sflag:s11], $0x100  }
0x116: {  	[sflag:s11] =	ssyncset.done $0x0  }
0x117: {  	[sflag:s11] =	ssyncadd.s32 $0xFFFFFF00  }
0x118: {  	_ =	swait.ge [sflag:s4], $0x8000  }
0x119: {  	[sflag:s4] =	ssyncset.done $0x0  }
0x11a: {  	[sflag:s4] =	ssyncadd.s32 $0xFFFF8000  }
0x11b: {  	[tilespmem:s9], [sflag:$0x1] =	stream.indirect.gather [spmem:s1], $0x80, s10, s10, $0xb8;
	[tilespmem:$0x1D450] =	vst v63  }
0x11c: {  	_ =	swait.ge [sflag:s7], $0x8000  }
0x11d: {  	[sflag:s7] =	ssyncset.done $0x0  }
0x11e: {  	s16 =	rddreg [dreg:$0xc];
	[sflag:s7] =	ssyncadd.s32 $0xFFFF8000  }
0x11f: {  	[hbm4b:s16+s2] =	stream.linear.scatter [tilespmem:s13], [sflag:$0x2], $0x8000, $0x38;
	[tilespmem:$0x1D450] =	vst v63  }
0x120: {  	s31 =	rddreg [dreg:$0xd]  }
0x121: {  	[tilespmem:s12], [sflag:$0x3] =	stream.linear.gather [hbm4b:s31+s2], $0x100, $0x38;
	[tilespmem:$0x1D450] =	vst v63  }
0x122: {  	_ =	swait.ge [sflag:s11], $0x100  }
0x123: {  	[sflag:s11] =	ssyncset.done $0x0  }
0x124: {  	[sflag:s11] =	ssyncadd.s32 $0xFFFFFF00  }
0x125: {  	_ =	swait.ge [sflag:s4], $0x8000  }
0x126: {  	[sflag:s4] =	ssyncset.done $0x0  }
0x127: {  	[sflag:s4] =	ssyncadd.s32 $0xFFFF8000  }
0x128: {  	[tilespmem:s8], [sflag:$0x1] =	stream.indirect.gather [spmem:s1], $0x80, s12, s10, $0xb8;
	[tilespmem:$0x1D450] =	vst v63  }
0x129: {  	_ =	swait.ge [sflag:s7], $0x8000  }
0x12a: {  	[sflag:s7] =	ssyncset.done $0x0  }
0x12b: {  	s16 =	rddreg [dreg:$0xe];
	[sflag:s7] =	ssyncadd.s32 $0xFFFF8000  }
0x12c: {  	[hbm4b:s16+s2] =	stream.linear.scatter [tilespmem:s9], [sflag:$0x2], $0x8000, $0x38;
	[tilespmem:$0x1D450] =	vst v63  }
0x12d: {  	s31 =	rddreg [dreg:$0xf]  }
0x12e: {  	[tilespmem:s2], [sflag:$0x3] =	stream.linear.gather [hbm4b:s31+s2], $0x100, $0x38;
	[tilespmem:$0x1D450] =	vst v63  }
0x12f: {  	_ =	swait.ge [sflag:s11], $0x100  }
0x130: {  	[sflag:s11] =	ssyncset.done $0x0  }
0x131: {  	[sflag:s11] =	ssyncadd.s32 $0xFFFFFF00  }
0x132: {  	_ =	swait.ge [sflag:s4], $0x8000  }
0x133: {  	[sflag:s4] =	ssyncset.done $0x0  }
0x134: {  	[sflag:s4] =	ssyncadd.s32 $0xFFFF8000  }
0x135: {  	[tilespmem:s13], [sflag:$0x1] =	stream.indirect.gather [spmem:s1], $0x80, s2, s10, $0xb8;
	[tilespmem:$0x1D450] =	vst v63  }
0x136: {  	_ =	swait.ge [sflag:s7], $0x8000  }
0x137: {  	[sflag:s7] =	ssyncset.done $0x0  }
0x138: {  	s16 =	rddreg [dreg:$0x10];
	[sflag:s7] =	ssyncadd.s32 $0xFFFF8000  }
0x139: {  	[hbm4b:s16+s2] =	stream.linear.scatter [tilespmem:s8], [sflag:$0x2], $0x8000, $0x38;
	[tilespmem:$0x1D450] =	vst v63  }
0x13a: {  	s31 =	rddreg [dreg:$0x11]  }
0x13b: {  	[tilespmem:s10], [sflag:$0x3] =	stream.linear.gather [hbm4b:s31+s2], $0x100, $0x38;
	[tilespmem:$0x1D450] =	vst v63  }
0x13c: {  	_ =	swait.ge [sflag:s11], $0x100  }
0x13d: {  	[sflag:s11] =	ssyncset.done $0x0  }
0x13e: {  	[sflag:s11] =	ssyncadd.s32 $0xFFFFFF00  }
0x13f: {  	_ =	swait.ge [sflag:s4], $0x8000  }
0x140: {  	[sflag:s4] =	ssyncset.done $0x0  }
0x141: {  	[sflag:s4] =	ssyncadd.s32 $0xFFFF8000  }
0x142: {  	[tilespmem:s9], [sflag:$0x1] =	stream.indirect.gather [spmem:s1], $0x80, s10, s10, $0xb8;
	[tilespmem:$0x1D450] =	vst v63  }
0x143: {  	_ =	swait.ge [sflag:s7], $0x8000  }
0x144: {  	[sflag:s7] =	ssyncset.done $0x0  }
0x145: {  	s16 =	rddreg [dreg:$0x12];
	[sflag:s7] =	ssyncadd.s32 $0xFFFF8000  }
0x146: {  	[hbm4b:s16+s2] =	stream.linear.scatter [tilespmem:s13], [sflag:$0x2], $0x8000, $0x38;
	[tilespmem:$0x1D450] =	vst v63  }
0x147: {  	s31 =	rddreg [dreg:$0x13]  }
0x148: {  	[tilespmem:s12], [sflag:$0x3] =	stream.linear.gather [hbm4b:s31+s2], $0x100, $0x38;
	[tilespmem:$0x1D450] =	vst v63  }
0x149: {  	_ =	swait.ge [sflag:s11], $0x100  }
0x14a: {  	[sflag:s11] =	ssyncset.done $0x0  }
0x14b: {  	[sflag:s11] =	ssyncadd.s32 $0xFFFFFF00  }
0x14c: {  	_ =	swait.ge [sflag:s4], $0x8000  }
0x14d: {  	[sflag:s4] =	ssyncset.done $0x0  }
0x14e: {  	[sflag:s4] =	ssyncadd.s32 $0xFFFF8000  }
0x14f: {  	[tilespmem:s8], [sflag:$0x1] =	stream.indirect.gather [spmem:s1], $0x80, s12, s10, $0xb8;
	[tilespmem:$0x1D450] =	vst v63  }
0x150: {  	_ =	swait.ge [sflag:s7], $0x8000  }
0x151: {  	[sflag:s7] =	ssyncset.done $0x0  }
0x152: {  	s16 =	rddreg [dreg:$0x14];
	[sflag:s7] =	ssyncadd.s32 $0xFFFF8000  }
0x153: {  	[hbm4b:s16+s2] =	stream.linear.scatter [tilespmem:s9], [sflag:$0x2], $0x8000, $0x38;
	[tilespmem:$0x1D450] =	vst v63  }
0x154: {  	s31 =	rddreg [dreg:$0x15]  }
0x155: {  	[tilespmem:s2], [sflag:$0x3] =	stream.linear.gather [hbm4b:s31+s2], $0x100, $0x38;
	[tilespmem:$0x1D450] =	vst v63  }
0x156: {  	_ =	swait.ge [sflag:s11], $0x100  }
0x157: {  	[sflag:s11] =	ssyncset.done $0x0  }
0x158: {  	[sflag:s11] =	ssyncadd.s32 $0xFFFFFF00  }
0x159: {  	_ =	swait.ge [sflag:s4], $0x8000  }
0x15a: {  	[sflag:s4] =	ssyncset.done $0x0  }
0x15b: {  	[sflag:s4] =	ssyncadd.s32 $0xFFFF8000  }
0x15c: {  	[tilespmem:s13], [sflag:$0x1] =	stream.indirect.gather [spmem:s1], $0x80, s2, s10, $0xb8;
	[tilespmem:$0x1D450] =	vst v63  }
0x15d: {  	_ =	swait.ge [sflag:s7], $0x8000  }
0x15e: {  	[sflag:s7] =	ssyncset.done $0x0  }
0x15f: {  	s16 =	rddreg [dreg:$0x16];
	[sflag:s7] =	ssyncadd.s32 $0xFFFF8000  }
0x160: {  	[hbm4b:s16+s2] =	stream.linear.scatter [tilespmem:s8], [sflag:$0x2], $0x8000, $0x38;
	[tilespmem:$0x1D450] =	vst v63  }
0x161: {  	s31 =	rddreg [dreg:$0x17]  }
0x162: {  	[tilespmem:s10], [sflag:$0x3] =	stream.linear.gather [hbm4b:s31+s2], $0x100, $0x38;
	[tilespmem:$0x1D450] =	vst v63  }
0x163: {  	_ =	swait.ge [sflag:s11], $0x100  }
0x164: {  	[sflag:s11] =	ssyncset.done $0x0  }
0x165: {  	[sflag:s11] =	ssyncadd.s32 $0xFFFFFF00  }
0x166: {  	_ =	swait.ge [sflag:s4], $0x8000  }
0x167: {  	[sflag:s4] =	ssyncset.done $0x0  }
0x168: {  	[sflag:s4] =	ssyncadd.s32 $0xFFFF8000  }
0x169: {  	[tilespmem:s9], [sflag:$0x1] =	stream.indirect.gather [spmem:s1], $0x80, s10, s10, $0xb8;
	[tilespmem:$0x1D450] =	vst v63  }
0x16a: {  	_ =	swait.ge [sflag:s7], $0x8000  }
0x16b: {  	[sflag:s7] =	ssyncset.done $0x0  }
0x16c: {  	s16 =	rddreg [dreg:$0x18];
	[sflag:s7] =	ssyncadd.s32 $0xFFFF8000  }
0x16d: {  	[hbm4b:s16+s2] =	stream.linear.scatter [tilespmem:s13], [sflag:$0x2], $0x8000, $0x38;
	[tilespmem:$0x1D450] =	vst v63  }
0x16e: {  	s31 =	rddreg [dreg:$0x19]  }
0x16f: {  	[tilespmem:s12], [sflag:$0x3] =	stream.linear.gather [hbm4b:s31+s2], $0x100, $0x38;
	[tilespmem:$0x1D450] =	vst v63  }
0x170: {  	_ =	swait.ge [sflag:s11], $0x100  }
0x171: {  	[sflag:s11] =	ssyncset.done $0x0  }
0x172: {  	[sflag:s11] =	ssyncadd.s32 $0xFFFFFF00  }
0x173: {  	_ =	swait.ge [sflag:s4], $0x8000  }
0x174: {  	[sflag:s4] =	ssyncset.done $0x0  }
0x175: {  	[sflag:s4] =	ssyncadd.s32 $0xFFFF8000  }
0x176: {  	[tilespmem:s8], [sflag:$0x1] =	stream.indirect.gather [spmem:s1], $0x80, s12, s10, $0xb8;
	[tilespmem:$0x1D450] =	vst v63  }
0x177: {  	_ =	swait.ge [sflag:s7], $0x8000  }
0x178: {  	[sflag:s7] =	ssyncset.done $0x0  }
0x179: {  	s16 =	rddreg [dreg:$0x1a];
	[sflag:s7] =	ssyncadd.s32 $0xFFFF8000  }
0x17a: {  	[hbm4b:s16+s2] =	stream.linear.scatter [tilespmem:s9], [sflag:$0x2], $0x8000, $0x38;
	[tilespmem:$0x1D450] =	vst v63  }
0x17b: {  	_ =	swait.ge @p2 [sflag:s19], $0x8000  }
0x17c: {  	[sflag:s19] =	ssyncset.done @p2 $0x0  }
0x17d: {  	s5 =	smov.u32 s3;
	s3 =	rddreg [dreg:$0x1b];
	[sflag:s19] =	ssyncadd.s32 @p2 $0xFFFF8000  }
0x17e: {  	[tilespmem:s20], [sflag:$0x3] =	stream.linear.gather @!p2 [hbm4b:s3+s20], $0x100, $0x38;
	[tilespmem:$0x1D450] =	vst v63  }
0x17f: {  	_ =	swait.ge @!p2 [sflag:s21], $0x100  }
0x180: {  	[sflag:s21] =	ssyncset.done @!p2 $0x0  }
0x181: {  	[sflag:s21] =	ssyncadd.s32 @!p2 $0xFFFFFF00  }
0x182: {  	_ =	swait.ge @!p2 [sflag:s22], $0x8000  }
0x183: {  	[sflag:s22] =	ssyncset.done @!p2 $0x0  }
0x184: {  	s3 =	simm.s32 @!p2 $0x100;
	[sflag:s22] =	ssyncadd.s32 @!p2 $0xFFFF8000  }
0x185: {  	[tilespmem:s24], [sflag:$0x1] =	stream.indirect.gather @!p2 [spmem:s1], $0x80, s20, s3, $0xb8;
	[tilespmem:$0x1D450] =	vst v63  }
0x186: {  	_ =	swait.ge [sflag:s7], $0x8000  }
0x187: {  	[sflag:s7] =	ssyncset.done $0x0  }
0x188: {  	s16 =	rddreg [dreg:$0x1c];
	[sflag:s7] =	ssyncadd.s32 $0xFFFF8000  }
0x189: {  	[hbm4b:s16+s2] =	stream.linear.scatter [tilespmem:s8], [sflag:$0x2], $0x8000, $0x38;
	[tilespmem:$0x1D450] =	vst v63  }
0x18a: {  	_ =	swait.ge @!p2 [sflag:s25], $0x8000  }
0x18b: {  	[sflag:s25] =	ssyncset.done @!p2 $0x0  }
0x18c: {  	[sflag:s25] =	ssyncadd.s32 @!p2 $0xFFFF8000  }
0x18d: {  	[hbm4b:s14+s20] =	stream.linear.scatter @!p2 [tilespmem:s24], [sflag:$0x2], $0x8000, $0x38;
	[tilespmem:$0x1D450] =	vst v63  }
0x18e: {  	_ =	swait.ge @!p2 [sflag:s22], $0x8000  }
0x18f: {  	[sflag:s22] =	ssyncset.done @!p2 $0x0  }
0x190: {  	[sflag:s22] =	ssyncadd.s32 @!p2 $0xFFFF8000  }
0x191: {  	[tilespmem:s29], [sflag:$0x3] =	stream.linear.gather @!p1 [hbm4b:s6+s28], $0xA0, $0x38;
	[tilespmem:$0x1D450] =	vst v63  }
0x192: {  	_ =	swait.ge @!p1 [sflag:s26], $0xA0  }
0x193: {  	[sflag:s26] =	ssyncset.done @!p1 $0x0  }
0x194: {  	s16 =	simm.s32 @!p1 $0xA0;
	[sflag:s26] =	ssyncadd.s32 @!p1 $0xFFFFFF60  }
0x195: {  	[tilespmem:s0], [sflag:$0x1] =	stream.indirect.gather @!p1 [spmem:s1], $0x80, s29, s16, $0xb8;
	[tilespmem:$0x1D450] =	vst v63  }
0x196: {  	_ =	swait.ge @!p1 [sflag:s30], $0x5000  }
0x197: {  	[sflag:s30] =	ssyncset.done @!p1 $0x0  }
0x198: {  	[sflag:s30] =	ssyncadd.s32 @!p1 $0xFFFFB000  }
0x199: {  	[hbm4b:s5+s28] =	stream.linear.scatter @!p1 [tilespmem:s0], [sflag:$0x2], $0x5000, $0x38;
	[tilespmem:$0x1D450] =	vst v63  }
0x19a: {  	_ =	swait.ge @!p1 [sflag:s17], $0x5000  }
0x19b: {  	s23 =	sadd.s32 $0xFFFFFFFF, s23;
	[sflag:s17] =	ssyncset.done @!p1 $0x0  }
0x19c: {  	p4 =	sne.s32 s23, $0x0;
	[sflag:s17] =	ssyncadd.s32 @!p1 $0xFFFFB000  }
.Ltmp2:
0x19d: {  	_ =	swait.ge [sflag:s4], $0x8000;
	(pc) =	sbr.rel @p4 .LBB2_4-.Ltmp2, $4  }
0x19e: {  	[sflag:s4] =	ssyncset.done $0x0  }
0x19f: {  	[sflag:s4] =	ssyncadd.s32 $0xFFFF8000  }
0x1a0: {  	_ =	swait.ge [sflag:s4], $0x8000  }
0x1a1: {  	s3 =	smov.u32 s5;
	s31 =	rddreg [dreg:$0x5];
	[sflag:s4] =	ssyncset.done $0x0  }
0x1a2: {  	s17 =	rddreg [dreg:$0x4]  }
0x1a3: {  	s19 =	rddreg [dreg:$0x1e]  }
0x1a4: {  	s16 =	rddreg [dreg:$0x1d]  }
.LBB2_6:
0x1a5: {  	[sflag:s4] =	ssyncadd.s32 @p3 $0xFFFF8000;
	s0 =	simm.s32 @!p0 $0x1C03;
	s3 =	simm.s32 @!p0 $0x3  }
0x1a6: {  	[spmem:s16], [sflag:s0] =	dma.local @!p0 [hbm:s31], $0xA0  }
0x1a7: {  	_ =	swait.ge @!p0 [sflag:s3], $0xA0  }
0x1a8: {  	[sflag:s3] =	ssyncset.done @!p0 $0x0  }
0x1a9: {  	[sflag:s3] =	ssyncadd.s32 @!p0 $0xFFFFFF60  }
0x1aa: {  	[tilespmem:s2], [sflag:$0x3] =	stream.linear.gather [hbm4b:s15+s2], $0x100, $0x38;
	[tilespmem:$0x1D450] =	vst v63  }
0x1ab: {  	_ =	swait.ge [sflag:s11], $0x100  }
0x1ac: {  	[sflag:s11] =	ssyncset.done $0x0  }
0x1ad: {  	s25 =	rddreg [dreg:$0x6];
	[sflag:s11] =	ssyncadd.s32 $0xFFFFFF00  }
0x1ae: {  	[tilespmem:s10], [sflag:$0x3] =	stream.linear.gather [hbm4b:s25+s2], $0x100, $0x38;
	[tilespmem:$0x1D450] =	vst v63  }
0x1af: {  	_ =	swait.ge [sflag:s11], $0x100  }
0x1b0: {  	[sflag:s11] =	ssyncset.done $0x0  }
0x1b1: {  	[sflag:s11] =	ssyncadd.s32 $0xFFFFFF00  }
0x1b2: {  	[bflag:$0x0] =	sbarrier.arrive $0xFFFF  }
0x1b3: {  	[tilespmem:s13], [sflag:$0x1] =	stream.indirect.gather [spmem:s1], $0x80, s2, s10, $0xb8;
	[tilespmem:$0x1D450] =	vst v63  }
0x1b4: {  	_ = 	snop  }
0x1b5: {  	[tilespmem:s9], [sflag:$0x1] =	stream.indirect.gather [spmem:s1], $0x80, s10, s10, $0xb8;
	[tilespmem:$0x1D450] =	vst v63  }
0x1b6: {  	_ =	swait.ge [sflag:s7], $0x8000  }
0x1b7: {  	[sflag:s7] =	ssyncset.done $0x0  }
0x1b8: {  	[sflag:s7] =	ssyncadd.s32 $0xFFFF8000  }
0x1b9: {  	[hbm4b:s19+s2] =	stream.linear.scatter [tilespmem:s13], [sflag:$0x2], $0x8000, $0x38;
	[tilespmem:$0x1D450] =	vst v63  }
0x1ba: {  	s26 =	rddreg [dreg:$0x7]  }
0x1bb: {  	[tilespmem:s12], [sflag:$0x3] =	stream.linear.gather [hbm4b:s26+s2], $0x100, $0x38;
	[tilespmem:$0x1D450] =	vst v63  }
0x1bc: {  	_ =	swait.ge [sflag:s11], $0x100  }
0x1bd: {  	[sflag:s11] =	ssyncset.done $0x0  }
0x1be: {  	[sflag:s11] =	ssyncadd.s32 $0xFFFFFF00  }
0x1bf: {  	[tilespmem:s8], [sflag:$0x1] =	stream.indirect.gather [spmem:s1], $0x80, s12, s10, $0xb8;
	[tilespmem:$0x1D450] =	vst v63  }
0x1c0: {  	_ =	swait.ge [sflag:s7], $0x8000  }
0x1c1: {  	[sflag:s7] =	ssyncset.done $0x0  }
0x1c2: {  	s28 =	rddreg [dreg:$0x8];
	[sflag:s7] =	ssyncadd.s32 $0xFFFF8000  }
0x1c3: {  	[hbm4b:s28+s2] =	stream.linear.scatter [tilespmem:s9], [sflag:$0x2], $0x8000, $0x38;
	[tilespmem:$0x1D450] =	vst v63  }
0x1c4: {  	s29 =	rddreg [dreg:$0x9]  }
0x1c5: {  	[tilespmem:s2], [sflag:$0x3] =	stream.linear.gather [hbm4b:s29+s2], $0x100, $0x38;
	[tilespmem:$0x1D450] =	vst v63  }
0x1c6: {  	_ =	swait.ge [sflag:s11], $0x100  }
0x1c7: {  	[sflag:s11] =	ssyncset.done $0x0  }
0x1c8: {  	[sflag:s11] =	ssyncadd.s32 $0xFFFFFF00  }
0x1c9: {  	_ =	swait.ge [sflag:s4], $0x8000  }
0x1ca: {  	[sflag:s4] =	ssyncset.done $0x0  }
0x1cb: {  	[sflag:s4] =	ssyncadd.s32 $0xFFFF8000  }
0x1cc: {  	[tilespmem:s13], [sflag:$0x1] =	stream.indirect.gather [spmem:s1], $0x80, s2, s10, $0xb8;
	[tilespmem:$0x1D450] =	vst v63  }
0x1cd: {  	_ =	swait.ge [sflag:s7], $0x8000  }
0x1ce: {  	[sflag:s7] =	ssyncset.done $0x0  }
0x1cf: {  	s30 =	rddreg [dreg:$0xa];
	[sflag:s7] =	ssyncadd.s32 $0xFFFF8000  }
0x1d0: {  	[hbm4b:s30+s2] =	stream.linear.scatter [tilespmem:s8], [sflag:$0x2], $0x8000, $0x38;
	[tilespmem:$0x1D450] =	vst v63  }
0x1d1: {  	s31 =	rddreg [dreg:$0xb]  }
0x1d2: {  	[tilespmem:s10], [sflag:$0x3] =	stream.linear.gather [hbm4b:s31+s2], $0x100, $0x38;
	[tilespmem:$0x1D450] =	vst v63  }
0x1d3: {  	_ =	swait.ge [sflag:s11], $0x100  }
0x1d4: {  	[sflag:s11] =	ssyncset.done $0x0  }
0x1d5: {  	[sflag:s11] =	ssyncadd.s32 $0xFFFFFF00  }
0x1d6: {  	_ =	swait.ge [sflag:s4], $0x8000  }
0x1d7: {  	[sflag:s4] =	ssyncset.done $0x0  }
0x1d8: {  	[sflag:s4] =	ssyncadd.s32 $0xFFFF8000  }
0x1d9: {  	[tilespmem:s9], [sflag:$0x1] =	stream.indirect.gather [spmem:s1], $0x80, s10, s10, $0xb8;
	[tilespmem:$0x1D450] =	vst v63  }
0x1da: {  	_ =	swait.ge [sflag:s7], $0x8000  }
0x1db: {  	[sflag:s7] =	ssyncset.done $0x0  }
0x1dc: {  	s3 =	rddreg [dreg:$0xc];
	[sflag:s7] =	ssyncadd.s32 $0xFFFF8000  }
0x1dd: {  	[hbm4b:s3+s2] =	stream.linear.scatter [tilespmem:s13], [sflag:$0x2], $0x8000, $0x38;
	[tilespmem:$0x1D450] =	vst v63  }
0x1de: {  	s15 =	rddreg [dreg:$0xd]  }
0x1df: {  	[tilespmem:s12], [sflag:$0x3] =	stream.linear.gather [hbm4b:s15+s2], $0x100, $0x38;
	[tilespmem:$0x1D450] =	vst v63  }
0x1e0: {  	_ =	swait.ge [sflag:s11], $0x100  }
0x1e1: {  	[sflag:s11] =	ssyncset.done $0x0  }
0x1e2: {  	[sflag:s11] =	ssyncadd.s32 $0xFFFFFF00  }
0x1e3: {  	_ =	swait.ge [sflag:s4], $0x8000  }
0x1e4: {  	[sflag:s4] =	ssyncset.done $0x0  }
0x1e5: {  	[sflag:s4] =	ssyncadd.s32 $0xFFFF8000  }
0x1e6: {  	[tilespmem:s8], [sflag:$0x1] =	stream.indirect.gather [spmem:s1], $0x80, s12, s10, $0xb8;
	[tilespmem:$0x1D450] =	vst v63  }
0x1e7: {  	_ =	swait.ge [sflag:s7], $0x8000  }
0x1e8: {  	[sflag:s7] =	ssyncset.done $0x0  }
0x1e9: {  	s16 =	rddreg [dreg:$0xe];
	[sflag:s7] =	ssyncadd.s32 $0xFFFF8000  }
0x1ea: {  	[hbm4b:s16+s2] =	stream.linear.scatter [tilespmem:s9], [sflag:$0x2], $0x8000, $0x38;
	[tilespmem:$0x1D450] =	vst v63  }
0x1eb: {  	s18 =	rddreg [dreg:$0xf]  }
0x1ec: {  	[tilespmem:s2], [sflag:$0x3] =	stream.linear.gather [hbm4b:s18+s2], $0x100, $0x38;
	[tilespmem:$0x1D450] =	vst v63  }
0x1ed: {  	_ =	swait.ge [sflag:s11], $0x100  }
0x1ee: {  	[sflag:s11] =	ssyncset.done $0x0  }
0x1ef: {  	[sflag:s11] =	ssyncadd.s32 $0xFFFFFF00  }
0x1f0: {  	_ =	swait.ge [sflag:s4], $0x8000  }
0x1f1: {  	[sflag:s4] =	ssyncset.done $0x0  }
0x1f2: {  	[sflag:s4] =	ssyncadd.s32 $0xFFFF8000  }
0x1f3: {  	[tilespmem:s13], [sflag:$0x1] =	stream.indirect.gather [spmem:s1], $0x80, s2, s10, $0xb8;
	[tilespmem:$0x1D450] =	vst v63  }
0x1f4: {  	_ =	swait.ge [sflag:s7], $0x8000  }
0x1f5: {  	[sflag:s7] =	ssyncset.done $0x0  }
0x1f6: {  	s19 =	rddreg [dreg:$0x10];
	[sflag:s7] =	ssyncadd.s32 $0xFFFF8000  }
0x1f7: {  	[hbm4b:s19+s2] =	stream.linear.scatter [tilespmem:s8], [sflag:$0x2], $0x8000, $0x38;
	[tilespmem:$0x1D450] =	vst v63  }
0x1f8: {  	s20 =	rddreg [dreg:$0x11]  }
0x1f9: {  	[tilespmem:s10], [sflag:$0x3] =	stream.linear.gather [hbm4b:s20+s2], $0x100, $0x38;
	[tilespmem:$0x1D450] =	vst v63  }
0x1fa: {  	_ =	swait.ge [sflag:s11], $0x100  }
0x1fb: {  	[sflag:s11] =	ssyncset.done $0x0  }
0x1fc: {  	[sflag:s11] =	ssyncadd.s32 $0xFFFFFF00  }
0x1fd: {  	_ =	swait.ge [sflag:s4], $0x8000  }
0x1fe: {  	[sflag:s4] =	ssyncset.done $0x0  }
0x1ff: {  	[sflag:s4] =	ssyncadd.s32 $0xFFFF8000  }
0x200: {  	[tilespmem:s9], [sflag:$0x1] =	stream.indirect.gather [spmem:s1], $0x80, s10, s10, $0xb8;
	[tilespmem:$0x1D450] =	vst v63  }
0x201: {  	_ =	swait.ge [sflag:s7], $0x8000  }
0x202: {  	[sflag:s7] =	ssyncset.done $0x0  }
0x203: {  	s21 =	rddreg [dreg:$0x12];
	[sflag:s7] =	ssyncadd.s32 $0xFFFF8000  }
0x204: {  	[hbm4b:s21+s2] =	stream.linear.scatter [tilespmem:s13], [sflag:$0x2], $0x8000, $0x38;
	[tilespmem:$0x1D450] =	vst v63  }
0x205: {  	s22 =	rddreg [dreg:$0x13]  }
0x206: {  	[tilespmem:s12], [sflag:$0x3] =	stream.linear.gather [hbm4b:s22+s2], $0x100, $0x38;
	[tilespmem:$0x1D450] =	vst v63  }
0x207: {  	_ =	swait.ge [sflag:s11], $0x100  }
0x208: {  	[sflag:s11] =	ssyncset.done $0x0  }
0x209: {  	[sflag:s11] =	ssyncadd.s32 $0xFFFFFF00  }
0x20a: {  	_ =	swait.ge [sflag:s4], $0x8000  }
0x20b: {  	[sflag:s4] =	ssyncset.done $0x0  }
0x20c: {  	[sflag:s4] =	ssyncadd.s32 $0xFFFF8000  }
0x20d: {  	[tilespmem:s8], [sflag:$0x1] =	stream.indirect.gather [spmem:s1], $0x80, s12, s10, $0xb8;
	[tilespmem:$0x1D450] =	vst v63  }
0x20e: {  	_ =	swait.ge [sflag:s7], $0x8000  }
0x20f: {  	[sflag:s7] =	ssyncset.done $0x0  }
0x210: {  	s23 =	rddreg [dreg:$0x14];
	[sflag:s7] =	ssyncadd.s32 $0xFFFF8000  }
0x211: {  	[hbm4b:s23+s2] =	stream.linear.scatter [tilespmem:s9], [sflag:$0x2], $0x8000, $0x38;
	[tilespmem:$0x1D450] =	vst v63  }
0x212: {  	s24 =	rddreg [dreg:$0x15]  }
0x213: {  	[tilespmem:s2], [sflag:$0x3] =	stream.linear.gather [hbm4b:s24+s2], $0x100, $0x38;
	[tilespmem:$0x1D450] =	vst v63  }
0x214: {  	_ =	swait.ge [sflag:s11], $0x100  }
0x215: {  	[sflag:s11] =	ssyncset.done $0x0  }
0x216: {  	[sflag:s11] =	ssyncadd.s32 $0xFFFFFF00  }
0x217: {  	_ =	swait.ge [sflag:s4], $0x8000  }
0x218: {  	[sflag:s4] =	ssyncset.done $0x0  }
0x219: {  	[sflag:s4] =	ssyncadd.s32 $0xFFFF8000  }
0x21a: {  	[tilespmem:s13], [sflag:$0x1] =	stream.indirect.gather [spmem:s1], $0x80, s2, s10, $0xb8;
	[tilespmem:$0x1D450] =	vst v63  }
0x21b: {  	_ =	swait.ge [sflag:s7], $0x8000  }
0x21c: {  	[sflag:s7] =	ssyncset.done $0x0  }
0x21d: {  	s25 =	rddreg [dreg:$0x16];
	[sflag:s7] =	ssyncadd.s32 $0xFFFF8000  }
0x21e: {  	[hbm4b:s25+s2] =	stream.linear.scatter [tilespmem:s8], [sflag:$0x2], $0x8000, $0x38;
	[tilespmem:$0x1D450] =	vst v63  }
0x21f: {  	s26 =	rddreg [dreg:$0x17]  }
0x220: {  	[tilespmem:s10], [sflag:$0x3] =	stream.linear.gather [hbm4b:s26+s2], $0x100, $0x38;
	[tilespmem:$0x1D450] =	vst v63  }
0x221: {  	_ =	swait.ge [sflag:s11], $0x100  }
0x222: {  	[sflag:s11] =	ssyncset.done $0x0  }
0x223: {  	[sflag:s11] =	ssyncadd.s32 $0xFFFFFF00  }
0x224: {  	_ =	swait.ge [sflag:s4], $0x8000  }
0x225: {  	[sflag:s4] =	ssyncset.done $0x0  }
0x226: {  	[sflag:s4] =	ssyncadd.s32 $0xFFFF8000  }
0x227: {  	[tilespmem:s9], [sflag:$0x1] =	stream.indirect.gather [spmem:s1], $0x80, s10, s10, $0xb8;
	[tilespmem:$0x1D450] =	vst v63  }
0x228: {  	_ =	swait.ge [sflag:s7], $0x8000  }
0x229: {  	[sflag:s7] =	ssyncset.done $0x0  }
0x22a: {  	s28 =	rddreg [dreg:$0x18];
	[sflag:s7] =	ssyncadd.s32 $0xFFFF8000  }
0x22b: {  	[hbm4b:s28+s2] =	stream.linear.scatter [tilespmem:s13], [sflag:$0x2], $0x8000, $0x38;
	[tilespmem:$0x1D450] =	vst v63  }
0x22c: {  	s29 =	rddreg [dreg:$0x19]  }
0x22d: {  	[tilespmem:s12], [sflag:$0x3] =	stream.linear.gather [hbm4b:s29+s2], $0x100, $0x38;
	[tilespmem:$0x1D450] =	vst v63  }
0x22e: {  	_ =	swait.ge [sflag:s11], $0x100  }
0x22f: {  	[sflag:s11] =	ssyncset.done $0x0  }
0x230: {  	[sflag:s11] =	ssyncadd.s32 $0xFFFFFF00  }
0x231: {  	_ =	swait.ge [sflag:s4], $0x8000  }
0x232: {  	[sflag:s4] =	ssyncset.done $0x0  }
0x233: {  	[sflag:s4] =	ssyncadd.s32 $0xFFFF8000  }
0x234: {  	[tilespmem:s8], [sflag:$0x1] =	stream.indirect.gather [spmem:s1], $0x80, s12, s10, $0xb8;
	[tilespmem:$0x1D450] =	vst v63  }
0x235: {  	_ =	swait.ge [sflag:s7], $0x8000  }
0x236: {  	[sflag:s7] =	ssyncset.done $0x0  }
0x237: {  	s3 =	simm.s32 @p2 $0x2;
	s30 =	rddreg [dreg:$0x1a];
	[sflag:s7] =	ssyncadd.s32 $0xFFFF8000  }
0x238: {  	[hbm4b:s30+s2] =	stream.linear.scatter [tilespmem:s9], [sflag:$0x2], $0x8000, $0x38;
	[tilespmem:$0x1D450] =	vst v63  }
0x239: {  	_ =	swait.ge @p2 [sflag:s3], $0x8000  }
0x23a: {  	s9 =	simm.s32 @!p2 $0x3;
	[sflag:s3] =	ssyncset.done @p2 $0x0  }
0x23b: {  	s0 =	rddreg [dreg:$0x1b];
	[sflag:s3] =	ssyncadd.s32 @p2 $0xFFFF8000;
	s3 =	simm.s32 @!p2 $0x0  }
0x23c: {  	[tilespmem:s3], [sflag:$0x3] =	stream.linear.gather @!p2 [hbm4b:s0+s3], $0x100, $0x38;
	[tilespmem:$0x1D450] =	vst v63  }
0x23d: {  	_ =	swait.ge @!p2 [sflag:s9], $0x100  }
0x23e: {  	[sflag:s9] =	ssyncset.done @!p2 $0x0  }
0x23f: {  	s0 =	simm.s32 @!p2 $0x2;
	[sflag:s9] =	ssyncadd.s32 @!p2 $0xFFFFFF00  }
0x240: {  	_ =	swait.ge @!p2 [sflag:s0], $0x8000  }
0x241: {  	[sflag:s0] =	ssyncset.done @!p2 $0x0  }
0x242: {  	s10 =	simm.s32 @!p2 $0x300;
	s9 =	simm.s32 @!p2 $0x100;
	[sflag:s0] =	ssyncadd.s32 @!p2 $0xFFFF8000  }
0x243: {  	[tilespmem:s10], [sflag:$0x1] =	stream.indirect.gather @!p2 [spmem:s1], $0x80, s3, s9, $0xb8;
	[tilespmem:$0x1D450] =	vst v63  }
0x244: {  	_ =	swait.ge [sflag:s7], $0x8000  }
0x245: {  	[sflag:s7] =	ssyncset.done $0x0  }
0x246: {  	s31 =	rddreg [dreg:$0x1c];
	[sflag:s7] =	ssyncadd.s32 $0xFFFF8000;
	s7 =	simm.s32 @!p2 $0x1  }
0x247: {  	[hbm4b:s31+s2] =	stream.linear.scatter [tilespmem:s8], [sflag:$0x2], $0x8000, $0x38;
	[tilespmem:$0x1D450] =	vst v63  }
0x248: {  	_ =	swait.ge @!p2 [sflag:s7], $0x8000  }
0x249: {  	[sflag:s7] =	ssyncset.done @!p2 $0x0  }
0x24a: {  	[sflag:s7] =	ssyncadd.s32 @!p2 $0xFFFF8000  }
0x24b: {  	[hbm4b:s14+s3] =	stream.linear.scatter @!p2 [tilespmem:s10], [sflag:$0x2], $0x8000, $0x38;
	[tilespmem:$0x1D450] =	vst v63  }
0x24c: {  	_ =	swait.ge @!p2 [sflag:s0], $0x8000  }
0x24d: {  	s2 =	simm.s32 @!p1 $0x3;
	[sflag:s0] =	ssyncset.done @!p2 $0x0  }
0x24e: {  	s3 =	simm.s32 @!p1 $0x18300;
	[sflag:s0] =	ssyncadd.s32 @!p2 $0xFFFF8000;
	s0 =	simm.s32 @!p1 $0x0  }
0x24f: {  	[tilespmem:s3], [sflag:$0x3] =	stream.linear.gather @!p1 [hbm4b:s6+s0], $0xA0, $0x38;
	[tilespmem:$0x1D450] =	vst v63  }
0x250: {  	_ =	swait.ge @!p1 [sflag:s2], $0xA0  }
0x251: {  	s7 =	simm.s32 @!p1 $0x1;
	[sflag:s2] =	ssyncset.done @!p1 $0x0  }
0x252: {  	s6 =	simm.s32 @!p1 $0x18400;
	[sflag:s2] =	ssyncadd.s32 @!p1 $0xFFFFFF60;
	s2 =	simm.s32 @!p1 $0xA0  }
0x253: {  	[tilespmem:s6], [sflag:$0x1] =	stream.indirect.gather @!p1 [spmem:s1], $0x80, s3, s2, $0xb8;
	[tilespmem:$0x1D450] =	vst v63  }
0x254: {  	_ =	swait.ge @!p1 [sflag:s7], $0x5000  }
0x255: {  	[sflag:s7] =	ssyncset.done @!p1 $0x0  }
0x256: {  	s1 =	simm.s32 @!p1 $0x2;
	[sflag:s7] =	ssyncadd.s32 @!p1 $0xFFFFB000  }
0x257: {  	[hbm4b:s5+s0] =	stream.linear.scatter @!p1 [tilespmem:s6], [sflag:$0x2], $0x5000, $0x38;
	[tilespmem:$0x1D450] =	vst v63  }
0x258: {  	_ =	swait.ge @!p1 [sflag:s1], $0x5000  }
0x259: {  	[sflag:s1] =	ssyncset.done @!p1 $0x0  }
0x25a: {  	[sflag:s1] =	ssyncadd.s32 @!p1 $0xFFFFB000  }
0x25b: {  	_ =	swait.ge [sflag:s4], $0x8000  }
0x25c: {  	[sflag:s4] =	ssyncset.done $0x0  }
0x25d: {  	[sflag:s4] =	ssyncadd.s32 $0xFFFF8000  }
0x25e: {  	_ =	swait.ge [sflag:s4], $0x8000  }
0x25f: {  	[sflag:s4] =	ssyncset.done $0x0  }
0x260: {  	[sflag:s4] =	ssyncadd.s32 $0xFFFF8000  }
0x261: {  	_ =	sfence.sel $0x180000  }
0x262: {  	[bflag:$0x0] =	sbarrier.arrive $0xFFFF  }
0x263: {  	_ =	strace $0x90000047  }
0x264: {  	s0 =	sadd.s32 @!p0 $0x100000, s17;
	[bflag:$0x2] =	sbarrier.arrive $0xFFFF  }
0x265: {  	[sflag:s0] =	ssyncadd.tile.s32 @!p0 $0x1;
	_ =	shalt  }
.LBB2_1:
.Ltmp3:
0x266: {  	(pc) =	sbr.rel .LBB2_6-.Ltmp3, $2  }
0x267: {  	_ =	sdelay $0x2  }
0x268: {  	s5 =	smov.u32 s3  }
.LBB2_3:
.Ltmp4:
0x269: {  	(pc) =	sbr.rel .LBB2_6-.Ltmp4, $4  }
0x26a: {  	_ = 	snop  }
0x26b: {  	s17 =	rddreg [dreg:$0x4]  }
0x26c: {  	s19 =	rddreg [dreg:$0x1e]  }
0x26d: {  	s5 =	smov.u32 s3;
	s16 =	rddreg [dreg:$0x1d]  }
.Lfunc_end2:
_tile_overlayer_lowered:
.L_overlay_start_2:
0x26e: {  	(tag) =	ssettag $0x2  }
0x26f: {  	s0 =	rddreg [dreg:$0x0];
	s2 =	stileid.u32  }
0x270: {  	s1 =	rddreg [dreg:$0x1];
	p0 =	sne.s32 s2, $0x0  }
0x271: {  	s3 =	rddreg [dreg:$0x2];
	[bflag:$0x3] =	sbarrier.arrive $0xFFFF;
	s2 =	simm.s32 @!p0 $0x1C03  }
0x272: {  	[timem:s3], [sflag:s2] =	dma.local @!p0 [hbm:s0], s1  }
0x273: {  	s0 =	simm.s32 @!p0 $0x3  }
0x274: {  	_ =	swait.ge @!p0 [sflag:s0], s1  }
0x275: {  	s1 =	ssub.s32 @!p0 $0x0, s1;
	[sflag:s0] =	ssyncset.done @!p0 $0x0  }
0x276: {  	[sflag:s0] =	ssyncadd.s32 @!p0 s1  }
0x277: {  	[bflag:$0x3] =	sbarrier.arrive $0xFFFF  }
0x278: {  	_ =	shalt  }

</sc_bundles>
